<compile_context>
chip_gen: v7x
topology: tpu7x:2x2x1
jax: 0.10.2.dev20260603
libtpu: 0.0.44.dev20260713+nightly
codegen_flags: <defaults>
</compile_context>

<pallas_src>
import functools

import jax
import jax.numpy as jnp
from jax import lax
from jax.experimental import pallas as pl
from jax.experimental.pallas import tpu as pltpu
from jax.experimental.pallas import tpu_sc as plsc

LEN_H = 32
LEN_W = 32
LEN_T = 32
D = 128

NUM_CORES = 2
NUM_SUBCORES = 16
LANES = 16
NW = NUM_CORES * NUM_SUBCORES

CHUNK = 128
NBUF = 6
LAG = 2


NTOK_PER_BATCH = 32768


@functools.lru_cache(maxsize=None)
def _build(B: int):
    b_per_w = B // NW
    n_chunk = b_per_w // CHUNK
    mesh = plsc.VectorSubcoreMesh(
        core_axis_name="c", subcore_axis_name="s",
        num_cores=NUM_CORES, num_subcores=NUM_SUBCORES)

    @functools.partial(
        pl.kernel,
        out_type=jax.ShapeDtypeStruct((B, D), jnp.float32),
        mesh=mesh,
        compiler_params=pltpu.CompilerParams(
            needs_layout_passes=False,
            disable_bounds_checks=True,
            disable_semaphore_checks=True,
        ),
        scratch_types=[
            pltpu.VMEM((b_per_w,), jnp.int32),
            pltpu.VMEM((b_per_w,), jnp.int32),
            pltpu.VMEM((b_per_w,), jnp.int32),
            pltpu.VMEM((n_chunk, CHUNK), jnp.int32),
            pltpu.VMEM((NBUF, CHUNK, D), jnp.float32),
            pltpu.SemaphoreType.DMA((NBUF,)),
            pltpu.SemaphoreType.DMA((NBUF,)),
        ],
    )
    def k(t_hbm, h_hbm, w_hbm, table_hbm, out_hbm,
          t_v, h_v, w_v, idx_v, rows_v, gsem, osem):
        wid = lax.axis_index("s") * NUM_CORES + lax.axis_index("c")
        base = wid * b_per_w

        nwb = NTOK_PER_BATCH // b_per_w
        bb = wid // nwb
        off = (wid % nwb) * b_per_w
        pltpu.sync_copy(t_hbm.at[bb, pl.ds(off, b_per_w)], t_v)
        pltpu.sync_copy(h_hbm.at[bb, pl.ds(off, b_per_w)], h_v)
        pltpu.sync_copy(w_hbm.at[bb, pl.ds(off, b_per_w)], w_v)

        def ibody(i, carry):
            sl = pl.ds(i * LANES, LANES)
            flat = (h_v[sl] * (LEN_T * LEN_W) + w_v[sl] * LEN_T + t_v[sl])
            idx_v[i // (CHUNK // LANES),
                  pl.ds((i % (CHUNK // LANES)) * LANES, LANES)] = flat
            return carry

        lax.fori_loop(0, b_per_w // LANES, ibody, 0)

        def gather(c, slot):
            return pltpu.make_async_copy(
                table_hbm.at[idx_v.at[c]], rows_v.at[slot], gsem.at[slot])

        def put(c, slot):
            return pltpu.make_async_copy(
                rows_v.at[slot],
                out_hbm.at[pl.ds(base + c * CHUNK, CHUNK)],
                osem.at[slot])

        plsc.subcore_barrier()

        for b in range(NBUF):
            gather(b, b).start()

        def cbody(c, carry):
            slot = lax.rem(c, NBUF)
            gather(c, slot).wait()
            put(c, slot).start()

            @pl.when((c >= LAG) & (c + NBUF - LAG < n_chunk))
            def _():
                pslot = lax.rem(c - LAG, NBUF)
                put(c - LAG, pslot).wait()
                gather(c - LAG + NBUF, pslot).start()

            return carry

        lax.fori_loop(0, n_chunk, cbody, 0)

        for b in range(NBUF):
            put(0, b).wait()

    return k


def kernel(pos_ids, table):
    bsz, ntok, _ = pos_ids.shape
    B = bsz * ntok
    t = pos_ids[..., 0]
    h = pos_ids[..., 1]
    w = pos_ids[..., 2]
    out = _build(B)(t, h, w, table)
    return out.reshape(bsz, ntok, D)

# --- scband reference (transcript-rebuilt; emitter-appended) ---
"""Pipeline reference for scband-sin-cos-pos-emb-84447646974428 (READ-ONLY COPY).

The authoritative reference and input builder live on the scoring server;
editing this copy changes nothing except your own understanding.
"""

import jax, jax.numpy as jnp
import numpy as np

LEN_H = 32
LEN_W = 32
LEN_T = 32
D = 128
BATCH = 4
NTOK = 32768


def get_1d_sincos_pos_embed_from_grid(embed_dim, pos):
    omega = np.arange(embed_dim // 2, dtype=np.float64)
    omega /= embed_dim / 2.0
    omega = 1.0 / 10000 ** omega
    pos = pos.reshape(-1)
    out = np.einsum('m,d->md', pos, omega)
    return np.concatenate([np.sin(out), np.cos(out)], axis=1)


def get_2d_sincos_pos_embed_from_grid(embed_dim, grid):
    emb_h = get_1d_sincos_pos_embed_from_grid(embed_dim // 2, grid[0])
    emb_w = get_1d_sincos_pos_embed_from_grid(embed_dim // 2, grid[1])
    return np.concatenate([emb_h, emb_w], axis=1)


def get_3d_sincos_pos_embed(embed_dim, len_h, len_w, len_t, s_scale, t_scale):
    dim_t = embed_dim // 4
    dim_s = embed_dim // 4 * 3
    grid_h = np.arange(len_h, dtype=np.float32) / s_scale
    grid_w = np.arange(len_w, dtype=np.float32) / s_scale
    grid = np.meshgrid(grid_w, grid_h)
    grid = np.stack(grid, axis=0).reshape([2, 1, len_h, len_w])
    emb_s = get_2d_sincos_pos_embed_from_grid(dim_s, grid)  # [H*W, dim_s]
    grid_t = np.arange(len_t, dtype=np.float32) / t_scale
    emb_t = get_1d_sincos_pos_embed_from_grid(dim_t, grid_t)  # [T, dim_t]
    emb_t = np.repeat(emb_t[:, None, :], len_h * len_w, axis=1)  # [T, H*W, dim_t]
    emb_s = np.repeat(emb_s[None, :, :], len_t, axis=0)  # [T, H*W, dim_s]
    emb = np.concatenate([emb_t, emb_s], axis=-1)  # [T, H*W, D]
    # arrange so flat index = h * (W*T) + w * T + t, matching forward's pos_id
    emb = emb.reshape(len_t, len_h, len_w, embed_dim).transpose(1, 2, 0, 3).reshape(len_h * len_w * len_t, embed_dim)
    return emb.astype(np.float32)


def setup_inputs(seed: int = 0) -> dict:
    key = jax.random.key(seed)
    pos_ids = jax.random.randint(key, (BATCH, NTOK, 3), 0, 32, dtype=jnp.int32)
    table = jnp.asarray(get_3d_sincos_pos_embed(D, LEN_H, LEN_W, LEN_T, 1.0, 1.0), dtype=jnp.float32)
    return {"pos_ids": pos_ids, "table": table}


def reference(pos_ids, table):
    pos_id = pos_ids[..., 1] * (LEN_T * LEN_W) + pos_ids[..., 2] * LEN_T + pos_ids[..., 0]
    return jnp.take(table, pos_id, axis=0)

if __name__ == "__main__":
    import jax
    _d = setup_inputs()
    print(jax.jit(kernel)(*tuple(_d.values())))

</pallas_src>

<mosaic_0001>
#map = affine_map<(d0, d1) -> (0, 0)>
module attributes {stable_mosaic.version = 14 : i64} {
  func.func @k(%arg0: i32, %arg1: i32, %arg2: memref<4x32768xi32, #tpu.memory_space<hbm>>, %arg3: memref<4x32768xi32, #tpu.memory_space<hbm>>, %arg4: memref<4x32768xi32, #tpu.memory_space<hbm>>, %arg5: memref<32768x128xf32, #tpu.memory_space<hbm>>, %arg6: memref<131072x128xf32, #tpu.memory_space<hbm>>, %arg7: memref<4096xi32, #tpu.memory_space<vmem>>, %arg8: memref<4096xi32, #tpu.memory_space<vmem>>, %arg9: memref<4096xi32, #tpu.memory_space<vmem>>, %arg10: memref<32x128xi32, #tpu.memory_space<vmem>>, %arg11: memref<6x128x128xf32, #tpu.memory_space<vmem>>, %arg12: memref<6x!tpu.dma_semaphore, #tpu.memory_space<semaphore_mem>>, %arg13: memref<6x!tpu.dma_semaphore, #tpu.memory_space<semaphore_mem>>) attributes {dimension_semantics = [#tpu.dimension_semantics<core_parallel>, #tpu.dimension_semantics<subcore_parallel>], iteration_bounds = array<i64: 2, 16>, scalar_prefetch = 0 : i64, scratch_operands = 7 : i64, tpu.core_type = #tpu.core_type<sc_vector_subcore>, window_params = [{transform_indices = #map}, {transform_indices = #map}, {transform_indices = #map}, {transform_indices = #map}, {transform_indices = #map}]} {
    %mul3A = arith.constant 2 : i32
    %mul3A_0 = arith.muli %arg1, %mul3A : i32
    %add3A = arith.addi %mul3A_0, %arg0 : i32
    %mul3A_1 = arith.constant 4096 : i32
    %mul3A_2 = arith.muli %add3A, %mul3A_1 : i32
    %jit3A = arith.constant 8 : i32
    %div3A = arith.divsi %add3A, %jit3A : i32
    %sign3A = arith.constant 0 : i32
    %sign3A_3 = arith.cmpi sgt, %add3A, %sign3A : i32
    %sign3A_4 = arith.extui %sign3A_3 : i1 to i32
    %sign3A_5 = arith.constant 0 : i32
    %sign3A_6 = arith.cmpi slt, %add3A, %sign3A_5 : i32
    %sign3A_7 = arith.extui %sign3A_6 : i1 to i32
    %sign3A_8 = arith.subi %sign3A_4, %sign3A_7 : i32
    %sign3A_9 = arith.constant 0 : i32
    %sign3A_10 = arith.cmpi sgt, %jit3A, %sign3A_9 : i32
    %sign3A_11 = arith.extui %sign3A_10 : i1 to i32
    %sign3A_12 = arith.constant 0 : i32
    %sign3A_13 = arith.cmpi slt, %jit3A, %sign3A_12 : i32
    %sign3A_14 = arith.extui %sign3A_13 : i1 to i32
    %sign3A_15 = arith.subi %sign3A_11, %sign3A_14 : i32
    %ne3A = arith.cmpi ne, %sign3A_8, %sign3A_15 : i32
    %rem3A = arith.remsi %add3A, %jit3A : i32
    %ne3A_16 = arith.constant 0 : i32
    %ne3A_17 = arith.cmpi ne, %rem3A, %ne3A_16 : i32
    %and3A = arith.andi %ne3A, %ne3A_17 : i1
    %sub3A = arith.constant 1 : i32
    %sub3A_18 = arith.subi %div3A, %sub3A : i32
    %select_n3A = arith.select %and3A, %sub3A_18, %div3A : i32
    %jit3A_19 = arith.constant 8 : i32
    %eq3A = arith.constant 0 : i32
    %eq3A_20 = arith.cmpi eq, %jit3A_19, %eq3A : i32
    %jit3A_21 = arith.constant 1 : i32
    %select_n3A_22 = arith.select %eq3A_20, %jit3A_21, %jit3A_19 : i32
    %rem3A_23 = arith.remsi %add3A, %select_n3A_22 : i32
    %ne3A_24 = arith.constant 0 : i32
    %ne3A_25 = arith.cmpi ne, %rem3A_23, %ne3A_24 : i32
    %lt3A = arith.constant 0 : i32
    %lt3A_26 = arith.cmpi slt, %rem3A_23, %lt3A : i32
    %lt3A_27 = arith.constant 0 : i32
    %lt3A_28 = arith.cmpi slt, %select_n3A_22, %lt3A_27 : i32
    %ne3A_29 = arith.xori %lt3A_26, %lt3A_28 : i1
    %and3A_30 = arith.andi %ne3A_29, %ne3A_25 : i1
    %add3A_31 = arith.addi %rem3A_23, %select_n3A_22 : i32
    %select_n3A_32 = arith.select %and3A_30, %add3A_31, %rem3A_23 : i32
    %mul3A_33 = arith.constant 4096 : i32
    %mul3A_34 = arith.muli %select_n3A_32, %mul3A_33 : i32
    "tpu.region"() ({
      %run_scoped3A = tpu.sem_alloc : memref<!tpu.dma_semaphore, #tpu.memory_space<semaphore_mem>>
      %dma_start3A_242 = tpu.memref_slice %arg2[%select_n3A, %mul3A_34] : memref<4x32768xi32, #tpu.memory_space<hbm>> -> memref<1x4096xi32, #tpu.memory_space<hbm>>
      %dma_start3A_243 = tpu.memref_squeeze %dma_start3A_242 : memref<1x4096xi32, #tpu.memory_space<hbm>> -> memref<4096xi32, #tpu.memory_space<hbm>>
      %dma_start3A_244 = tpu.memref_slice %arg2[%select_n3A, %mul3A_34] : memref<4x32768xi32, #tpu.memory_space<hbm>> -> memref<1x4096xi32, #tpu.memory_space<hbm>>
      %dma_start3A_245 = tpu.memref_squeeze %dma_start3A_244 : memref<1x4096xi32, #tpu.memory_space<hbm>> -> memref<4096xi32, #tpu.memory_space<hbm>>
      tpu.enqueue_dma source(%dma_start3A_245 : memref<4096xi32, #tpu.memory_space<hbm>>) target(%arg7 : memref<4096xi32, #tpu.memory_space<vmem>>) target_semaphore(%run_scoped3A : memref<!tpu.dma_semaphore, #tpu.memory_space<semaphore_mem>>)
      %dma_wait3A_246 = tpu.memref_slice %arg2[%select_n3A, %mul3A_34] : memref<4x32768xi32, #tpu.memory_space<hbm>> -> memref<1x4096xi32, #tpu.memory_space<hbm>>
      %dma_wait3A_247 = tpu.memref_squeeze %dma_wait3A_246 : memref<1x4096xi32, #tpu.memory_space<hbm>> -> memref<4096xi32, #tpu.memory_space<hbm>>
      %dma_wait3A_248 = tpu.memref_slice %arg2[%select_n3A, %mul3A_34] : memref<4x32768xi32, #tpu.memory_space<hbm>> -> memref<1x4096xi32, #tpu.memory_space<hbm>>
      %dma_wait3A_249 = tpu.memref_squeeze %dma_wait3A_248 : memref<1x4096xi32, #tpu.memory_space<hbm>> -> memref<4096xi32, #tpu.memory_space<hbm>>
      tpu.wait_dma2 semaphore(%run_scoped3A : memref<!tpu.dma_semaphore, #tpu.memory_space<semaphore_mem>>) src(%dma_wait3A_249 : memref<4096xi32, #tpu.memory_space<hbm>>) dst(%arg7 : memref<4096xi32, #tpu.memory_space<vmem>>)
      tpu.yield
    }) : () -> ()
    "tpu.region"() ({
      %run_scoped3A = tpu.sem_alloc : memref<!tpu.dma_semaphore, #tpu.memory_space<semaphore_mem>>
      %dma_start3A_242 = tpu.memref_slice %arg3[%select_n3A, %mul3A_34] : memref<4x32768xi32, #tpu.memory_space<hbm>> -> memref<1x4096xi32, #tpu.memory_space<hbm>>
      %dma_start3A_243 = tpu.memref_squeeze %dma_start3A_242 : memref<1x4096xi32, #tpu.memory_space<hbm>> -> memref<4096xi32, #tpu.memory_space<hbm>>
      %dma_start3A_244 = tpu.memref_slice %arg3[%select_n3A, %mul3A_34] : memref<4x32768xi32, #tpu.memory_space<hbm>> -> memref<1x4096xi32, #tpu.memory_space<hbm>>
      %dma_start3A_245 = tpu.memref_squeeze %dma_start3A_244 : memref<1x4096xi32, #tpu.memory_space<hbm>> -> memref<4096xi32, #tpu.memory_space<hbm>>
      tpu.enqueue_dma source(%dma_start3A_245 : memref<4096xi32, #tpu.memory_space<hbm>>) target(%arg8 : memref<4096xi32, #tpu.memory_space<vmem>>) target_semaphore(%run_scoped3A : memref<!tpu.dma_semaphore, #tpu.memory_space<semaphore_mem>>)
      %dma_wait3A_246 = tpu.memref_slice %arg3[%select_n3A, %mul3A_34] : memref<4x32768xi32, #tpu.memory_space<hbm>> -> memref<1x4096xi32, #tpu.memory_space<hbm>>
      %dma_wait3A_247 = tpu.memref_squeeze %dma_wait3A_246 : memref<1x4096xi32, #tpu.memory_space<hbm>> -> memref<4096xi32, #tpu.memory_space<hbm>>
      %dma_wait3A_248 = tpu.memref_slice %arg3[%select_n3A, %mul3A_34] : memref<4x32768xi32, #tpu.memory_space<hbm>> -> memref<1x4096xi32, #tpu.memory_space<hbm>>
      %dma_wait3A_249 = tpu.memref_squeeze %dma_wait3A_248 : memref<1x4096xi32, #tpu.memory_space<hbm>> -> memref<4096xi32, #tpu.memory_space<hbm>>
      tpu.wait_dma2 semaphore(%run_scoped3A : memref<!tpu.dma_semaphore, #tpu.memory_space<semaphore_mem>>) src(%dma_wait3A_249 : memref<4096xi32, #tpu.memory_space<hbm>>) dst(%arg8 : memref<4096xi32, #tpu.memory_space<vmem>>)
      tpu.yield
    }) : () -> ()
    "tpu.region"() ({
      %run_scoped3A = tpu.sem_alloc : memref<!tpu.dma_semaphore, #tpu.memory_space<semaphore_mem>>
      %dma_start3A_242 = tpu.memref_slice %arg4[%select_n3A, %mul3A_34] : memref<4x32768xi32, #tpu.memory_space<hbm>> -> memref<1x4096xi32, #tpu.memory_space<hbm>>
      %dma_start3A_243 = tpu.memref_squeeze %dma_start3A_242 : memref<1x4096xi32, #tpu.memory_space<hbm>> -> memref<4096xi32, #tpu.memory_space<hbm>>
      %dma_start3A_244 = tpu.memref_slice %arg4[%select_n3A, %mul3A_34] : memref<4x32768xi32, #tpu.memory_space<hbm>> -> memref<1x4096xi32, #tpu.memory_space<hbm>>
      %dma_start3A_245 = tpu.memref_squeeze %dma_start3A_244 : memref<1x4096xi32, #tpu.memory_space<hbm>> -> memref<4096xi32, #tpu.memory_space<hbm>>
      tpu.enqueue_dma source(%dma_start3A_245 : memref<4096xi32, #tpu.memory_space<hbm>>) target(%arg9 : memref<4096xi32, #tpu.memory_space<vmem>>) target_semaphore(%run_scoped3A : memref<!tpu.dma_semaphore, #tpu.memory_space<semaphore_mem>>)
      %dma_wait3A_246 = tpu.memref_slice %arg4[%select_n3A, %mul3A_34] : memref<4x32768xi32, #tpu.memory_space<hbm>> -> memref<1x4096xi32, #tpu.memory_space<hbm>>
      %dma_wait3A_247 = tpu.memref_squeeze %dma_wait3A_246 : memref<1x4096xi32, #tpu.memory_space<hbm>> -> memref<4096xi32, #tpu.memory_space<hbm>>
      %dma_wait3A_248 = tpu.memref_slice %arg4[%select_n3A, %mul3A_34] : memref<4x32768xi32, #tpu.memory_space<hbm>> -> memref<1x4096xi32, #tpu.memory_space<hbm>>
      %dma_wait3A_249 = tpu.memref_squeeze %dma_wait3A_248 : memref<1x4096xi32, #tpu.memory_space<hbm>> -> memref<4096xi32, #tpu.memory_space<hbm>>
      tpu.wait_dma2 semaphore(%run_scoped3A : memref<!tpu.dma_semaphore, #tpu.memory_space<semaphore_mem>>) src(%dma_wait3A_249 : memref<4096xi32, #tpu.memory_space<hbm>>) dst(%arg9 : memref<4096xi32, #tpu.memory_space<vmem>>)
      tpu.yield
    }) : () -> ()
    %scan3A = arith.constant 0 : i32
    %scan3A_35 = arith.constant 0 : i32
    %scan3A_36 = arith.constant 256 : i32
    %scan3A_37 = arith.addi %scan3A_35, %scan3A_36 : i32
    %scan3A_38 = arith.constant 1 : i32
    scf.for %scan3A_242 = %scan3A_35 to %scan3A_37 step %scan3A_38  : i32 {
      %mul3A_243 = arith.constant 16 : i32
      %mul3A_244 = arith.muli %scan3A_242, %mul3A_243 : i32
      %get3A = arith.index_cast %mul3A_244 : i32 to index
      %get3A_245 = tpu.vector_load %arg8[%get3A] {strides = array<i32>} : memref<4096xi32, #tpu.memory_space<vmem>>, vector<16xi32>,
      %mul3A_246 = arith.constant 1024 : i32
      %mul3A_247 = vector.broadcast %mul3A_246 : i32 to vector<16xi32>
      %mul3A_248 = arith.muli %get3A_245, %mul3A_247 : vector<16xi32>
      %get3A_249 = arith.index_cast %mul3A_244 : i32 to index
      %get3A_250 = tpu.vector_load %arg9[%get3A_249] {strides = array<i32>} : memref<4096xi32, #tpu.memory_space<vmem>>, vector<16xi32>,
      %mul3A_251 = arith.constant 32 : i32
      %mul3A_252 = vector.broadcast %mul3A_251 : i32 to vector<16xi32>
      %mul3A_253 = arith.muli %get3A_250, %mul3A_252 : vector<16xi32>
      %add3A_254 = arith.addi %mul3A_248, %mul3A_253 : vector<16xi32>
      %get3A_255 = arith.index_cast %mul3A_244 : i32 to index
      %get3A_256 = tpu.vector_load %arg7[%get3A_255] {strides = array<i32>} : memref<4096xi32, #tpu.memory_space<vmem>>, vector<16xi32>,
      %add3A_257 = arith.addi %add3A_254, %get3A_256 : vector<16xi32>
      %jit3A_258 = arith.constant 8 : i32
      %div3A_259 = arith.divsi %scan3A_242, %jit3A_258 : i32
      %sign3A_260 = arith.constant 0 : i32
      %sign3A_261 = arith.cmpi sgt, %scan3A_242, %sign3A_260 : i32
      %sign3A_262 = arith.extui %sign3A_261 : i1 to i32
      %sign3A_263 = arith.constant 0 : i32
      %sign3A_264 = arith.cmpi slt, %scan3A_242, %sign3A_263 : i32
      %sign3A_265 = arith.extui %sign3A_264 : i1 to i32
      %sign3A_266 = arith.subi %sign3A_262, %sign3A_265 : i32
      %sign3A_267 = arith.constant 0 : i32
      %sign3A_268 = arith.cmpi sgt, %jit3A_258, %sign3A_267 : i32
      %sign3A_269 = arith.extui %sign3A_268 : i1 to i32
      %sign3A_270 = arith.constant 0 : i32
      %sign3A_271 = arith.cmpi slt, %jit3A_258, %sign3A_270 : i32
      %sign3A_272 = arith.extui %sign3A_271 : i1 to i32
      %sign3A_273 = arith.subi %sign3A_269, %sign3A_272 : i32
      %ne3A_274 = arith.cmpi ne, %sign3A_266, %sign3A_273 : i32
      %rem3A_275 = arith.remsi %scan3A_242, %jit3A_258 : i32
      %ne3A_276 = arith.constant 0 : i32
      %ne3A_277 = arith.cmpi ne, %rem3A_275, %ne3A_276 : i32
      %and3A_278 = arith.andi %ne3A_274, %ne3A_277 : i1
      %sub3A_279 = arith.constant 1 : i32
      %sub3A_280 = arith.subi %div3A_259, %sub3A_279 : i32
      %select_n3A_281 = arith.select %and3A_278, %sub3A_280, %div3A_259 : i32
      %jit3A_282 = arith.constant 8 : i32
      %eq3A_283 = arith.constant 0 : i32
      %eq3A_284 = arith.cmpi eq, %jit3A_282, %eq3A_283 : i32
      %jit3A_285 = arith.constant 1 : i32
      %select_n3A_286 = arith.select %eq3A_284, %jit3A_285, %jit3A_282 : i32
      %rem3A_287 = arith.remsi %scan3A_242, %select_n3A_286 : i32
      %ne3A_288 = arith.constant 0 : i32
      %ne3A_289 = arith.cmpi ne, %rem3A_287, %ne3A_288 : i32
      %lt3A_290 = arith.constant 0 : i32
      %lt3A_291 = arith.cmpi slt, %rem3A_287, %lt3A_290 : i32
      %lt3A_292 = arith.constant 0 : i32
      %lt3A_293 = arith.cmpi slt, %select_n3A_286, %lt3A_292 : i32
      %ne3A_294 = arith.xori %lt3A_291, %lt3A_293 : i1
      %and3A_295 = arith.andi %ne3A_294, %ne3A_289 : i1
      %add3A_296 = arith.addi %rem3A_287, %select_n3A_286 : i32
      %select_n3A_297 = arith.select %and3A_295, %add3A_296, %rem3A_287 : i32
      %mul3A_298 = arith.constant 16 : i32
      %mul3A_299 = arith.muli %select_n3A_297, %mul3A_298 : i32
      %swap3A = arith.index_cast %select_n3A_281 : i32 to index
      %swap3A_300 = arith.index_cast %mul3A_299 : i32 to index
      %swap3A_301 = tpu.vector_load %arg10[%swap3A, %swap3A_300] {strides = array<i32>} : memref<32x128xi32, #tpu.memory_space<vmem>>, vector<16xi32>,
      tpu.vector_store %arg10[%swap3A, %swap3A_300], %add3A_257 {strides = array<i32>} : memref<32x128xi32, #tpu.memory_space<vmem>>, vector<16xi32>,
    }
    %scan3A_39 = arith.constant 256 : i32
    %barrier3A = arith.constant 0 : index
    tpu.barrier barrier_id(%barrier3A)
    %dma_start3A = arith.constant 0 : i32
    %dma_start3A_40 = arith.constant 0 : i32
    %dma_start3A_41 = arith.constant 0 : i32
    %dma_start3A_42 = arith.constant 0 : i32
    %dma_start3A_43 = arith.constant 0 : i32
    %dma_start3A_44 = tpu.memref_slice %arg11[%dma_start3A_40, %dma_start3A_42, %dma_start3A_43] : memref<6x128x128xf32, #tpu.memory_space<vmem>> -> memref<1x128x128xf32, #tpu.memory_space<vmem>>
    %dma_start3A_45 = tpu.memref_squeeze %dma_start3A_44 : memref<1x128x128xf32, #tpu.memory_space<vmem>> -> memref<128x128xf32, #tpu.memory_space<vmem>>
    %dma_start3A_46 = arith.constant 0 : i32
    %dma_start3A_47 = tpu.memref_slice %arg10[%dma_start3A, %dma_start3A_46] : memref<32x128xi32, #tpu.memory_space<vmem>> -> memref<1x128xi32, #tpu.memory_space<vmem>>
    %dma_start3A_48 = tpu.memref_squeeze %dma_start3A_47 : memref<1x128xi32, #tpu.memory_space<vmem>> -> memref<128xi32, #tpu.memory_space<vmem>>
    %dma_start3A_49 = arith.constant 0 : i32
    %dma_start3A_50 = arith.constant 0 : i32
    %dma_start3A_51 = tpu.memref_slice %arg5[%dma_start3A_49, %dma_start3A_50] : memref<32768x128xf32, #tpu.memory_space<hbm>> -> memref<32768x128xf32, #tpu.memory_space<hbm>>
    %dma_start3A_52 = tpu.memref_slice %arg12[%dma_start3A_41] : memref<6x!tpu.dma_semaphore, #tpu.memory_space<semaphore_mem>> -> memref<1x!tpu.dma_semaphore, #tpu.memory_space<semaphore_mem>>
    %dma_start3A_53 = tpu.memref_squeeze %dma_start3A_52 : memref<1x!tpu.dma_semaphore, #tpu.memory_space<semaphore_mem>> -> memref<!tpu.dma_semaphore, #tpu.memory_space<semaphore_mem>>
    tpu.enqueue_indirect_dma source(%dma_start3A_51 : memref<32768x128xf32, #tpu.memory_space<hbm>>) target(%dma_start3A_45 : memref<128x128xf32, #tpu.memory_space<vmem>>) offsets(%dma_start3A_48 : memref<128xi32, #tpu.memory_space<vmem>>) semaphore(%dma_start3A_53 : memref<!tpu.dma_semaphore, #tpu.memory_space<semaphore_mem>>)
    %dma_start3A_54 = arith.constant 1 : i32
    %dma_start3A_55 = arith.constant 1 : i32
    %dma_start3A_56 = arith.constant 1 : i32
    %dma_start3A_57 = arith.constant 0 : i32
    %dma_start3A_58 = arith.constant 0 : i32
    %dma_start3A_59 = tpu.memref_slice %arg11[%dma_start3A_55, %dma_start3A_57, %dma_start3A_58] : memref<6x128x128xf32, #tpu.memory_space<vmem>> -> memref<1x128x128xf32, #tpu.memory_space<vmem>>
    %dma_start3A_60 = tpu.memref_squeeze %dma_start3A_59 : memref<1x128x128xf32, #tpu.memory_space<vmem>> -> memref<128x128xf32, #tpu.memory_space<vmem>>
    %dma_start3A_61 = arith.constant 0 : i32
    %dma_start3A_62 = tpu.memref_slice %arg10[%dma_start3A_54, %dma_start3A_61] : memref<32x128xi32, #tpu.memory_space<vmem>> -> memref<1x128xi32, #tpu.memory_space<vmem>>
    %dma_start3A_63 = tpu.memref_squeeze %dma_start3A_62 : memref<1x128xi32, #tpu.memory_space<vmem>> -> memref<128xi32, #tpu.memory_space<vmem>>
    %dma_start3A_64 = arith.constant 0 : i32
    %dma_start3A_65 = arith.constant 0 : i32
    %dma_start3A_66 = tpu.memref_slice %arg5[%dma_start3A_64, %dma_start3A_65] : memref<32768x128xf32, #tpu.memory_space<hbm>> -> memref<32768x128xf32, #tpu.memory_space<hbm>>
    %dma_start3A_67 = tpu.memref_slice %arg12[%dma_start3A_56] : memref<6x!tpu.dma_semaphore, #tpu.memory_space<semaphore_mem>> -> memref<1x!tpu.dma_semaphore, #tpu.memory_space<semaphore_mem>>
    %dma_start3A_68 = tpu.memref_squeeze %dma_start3A_67 : memref<1x!tpu.dma_semaphore, #tpu.memory_space<semaphore_mem>> -> memref<!tpu.dma_semaphore, #tpu.memory_space<semaphore_mem>>
    tpu.enqueue_indirect_dma source(%dma_start3A_66 : memref<32768x128xf32, #tpu.memory_space<hbm>>) target(%dma_start3A_60 : memref<128x128xf32, #tpu.memory_space<vmem>>) offsets(%dma_start3A_63 : memref<128xi32, #tpu.memory_space<vmem>>) semaphore(%dma_start3A_68 : memref<!tpu.dma_semaphore, #tpu.memory_space<semaphore_mem>>)
    %dma_start3A_69 = arith.constant 2 : i32
    %dma_start3A_70 = arith.constant 2 : i32
    %dma_start3A_71 = arith.constant 2 : i32
    %dma_start3A_72 = arith.constant 0 : i32
    %dma_start3A_73 = arith.constant 0 : i32
    %dma_start3A_74 = tpu.memref_slice %arg11[%dma_start3A_70, %dma_start3A_72, %dma_start3A_73] : memref<6x128x128xf32, #tpu.memory_space<vmem>> -> memref<1x128x128xf32, #tpu.memory_space<vmem>>
    %dma_start3A_75 = tpu.memref_squeeze %dma_start3A_74 : memref<1x128x128xf32, #tpu.memory_space<vmem>> -> memref<128x128xf32, #tpu.memory_space<vmem>>
    %dma_start3A_76 = arith.constant 0 : i32
    %dma_start3A_77 = tpu.memref_slice %arg10[%dma_start3A_69, %dma_start3A_76] : memref<32x128xi32, #tpu.memory_space<vmem>> -> memref<1x128xi32, #tpu.memory_space<vmem>>
    %dma_start3A_78 = tpu.memref_squeeze %dma_start3A_77 : memref<1x128xi32, #tpu.memory_space<vmem>> -> memref<128xi32, #tpu.memory_space<vmem>>
    %dma_start3A_79 = arith.constant 0 : i32
    %dma_start3A_80 = arith.constant 0 : i32
    %dma_start3A_81 = tpu.memref_slice %arg5[%dma_start3A_79, %dma_start3A_80] : memref<32768x128xf32, #tpu.memory_space<hbm>> -> memref<32768x128xf32, #tpu.memory_space<hbm>>
    %dma_start3A_82 = tpu.memref_slice %arg12[%dma_start3A_71] : memref<6x!tpu.dma_semaphore, #tpu.memory_space<semaphore_mem>> -> memref<1x!tpu.dma_semaphore, #tpu.memory_space<semaphore_mem>>
    %dma_start3A_83 = tpu.memref_squeeze %dma_start3A_82 : memref<1x!tpu.dma_semaphore, #tpu.memory_space<semaphore_mem>> -> memref<!tpu.dma_semaphore, #tpu.memory_space<semaphore_mem>>
    tpu.enqueue_indirect_dma source(%dma_start3A_81 : memref<32768x128xf32, #tpu.memory_space<hbm>>) target(%dma_start3A_75 : memref<128x128xf32, #tpu.memory_space<vmem>>) offsets(%dma_start3A_78 : memref<128xi32, #tpu.memory_space<vmem>>) semaphore(%dma_start3A_83 : memref<!tpu.dma_semaphore, #tpu.memory_space<semaphore_mem>>)
    %dma_start3A_84 = arith.constant 3 : i32
    %dma_start3A_85 = arith.constant 3 : i32
    %dma_start3A_86 = arith.constant 3 : i32
    %dma_start3A_87 = arith.constant 0 : i32
    %dma_start3A_88 = arith.constant 0 : i32
    %dma_start3A_89 = tpu.memref_slice %arg11[%dma_start3A_85, %dma_start3A_87, %dma_start3A_88] : memref<6x128x128xf32, #tpu.memory_space<vmem>> -> memref<1x128x128xf32, #tpu.memory_space<vmem>>
    %dma_start3A_90 = tpu.memref_squeeze %dma_start3A_89 : memref<1x128x128xf32, #tpu.memory_space<vmem>> -> memref<128x128xf32, #tpu.memory_space<vmem>>
    %dma_start3A_91 = arith.constant 0 : i32
    %dma_start3A_92 = tpu.memref_slice %arg10[%dma_start3A_84, %dma_start3A_91] : memref<32x128xi32, #tpu.memory_space<vmem>> -> memref<1x128xi32, #tpu.memory_space<vmem>>
    %dma_start3A_93 = tpu.memref_squeeze %dma_start3A_92 : memref<1x128xi32, #tpu.memory_space<vmem>> -> memref<128xi32, #tpu.memory_space<vmem>>
    %dma_start3A_94 = arith.constant 0 : i32
    %dma_start3A_95 = arith.constant 0 : i32
    %dma_start3A_96 = tpu.memref_slice %arg5[%dma_start3A_94, %dma_start3A_95] : memref<32768x128xf32, #tpu.memory_space<hbm>> -> memref<32768x128xf32, #tpu.memory_space<hbm>>
    %dma_start3A_97 = tpu.memref_slice %arg12[%dma_start3A_86] : memref<6x!tpu.dma_semaphore, #tpu.memory_space<semaphore_mem>> -> memref<1x!tpu.dma_semaphore, #tpu.memory_space<semaphore_mem>>
    %dma_start3A_98 = tpu.memref_squeeze %dma_start3A_97 : memref<1x!tpu.dma_semaphore, #tpu.memory_space<semaphore_mem>> -> memref<!tpu.dma_semaphore, #tpu.memory_space<semaphore_mem>>
    tpu.enqueue_indirect_dma source(%dma_start3A_96 : memref<32768x128xf32, #tpu.memory_space<hbm>>) target(%dma_start3A_90 : memref<128x128xf32, #tpu.memory_space<vmem>>) offsets(%dma_start3A_93 : memref<128xi32, #tpu.memory_space<vmem>>) semaphore(%dma_start3A_98 : memref<!tpu.dma_semaphore, #tpu.memory_space<semaphore_mem>>)
    %dma_start3A_99 = arith.constant 4 : i32
    %dma_start3A_100 = arith.constant 4 : i32
    %dma_start3A_101 = arith.constant 4 : i32
    %dma_start3A_102 = arith.constant 0 : i32
    %dma_start3A_103 = arith.constant 0 : i32
    %dma_start3A_104 = tpu.memref_slice %arg11[%dma_start3A_100, %dma_start3A_102, %dma_start3A_103] : memref<6x128x128xf32, #tpu.memory_space<vmem>> -> memref<1x128x128xf32, #tpu.memory_space<vmem>>
    %dma_start3A_105 = tpu.memref_squeeze %dma_start3A_104 : memref<1x128x128xf32, #tpu.memory_space<vmem>> -> memref<128x128xf32, #tpu.memory_space<vmem>>
    %dma_start3A_106 = arith.constant 0 : i32
    %dma_start3A_107 = tpu.memref_slice %arg10[%dma_start3A_99, %dma_start3A_106] : memref<32x128xi32, #tpu.memory_space<vmem>> -> memref<1x128xi32, #tpu.memory_space<vmem>>
    %dma_start3A_108 = tpu.memref_squeeze %dma_start3A_107 : memref<1x128xi32, #tpu.memory_space<vmem>> -> memref<128xi32, #tpu.memory_space<vmem>>
    %dma_start3A_109 = arith.constant 0 : i32
    %dma_start3A_110 = arith.constant 0 : i32
    %dma_start3A_111 = tpu.memref_slice %arg5[%dma_start3A_109, %dma_start3A_110] : memref<32768x128xf32, #tpu.memory_space<hbm>> -> memref<32768x128xf32, #tpu.memory_space<hbm>>
    %dma_start3A_112 = tpu.memref_slice %arg12[%dma_start3A_101] : memref<6x!tpu.dma_semaphore, #tpu.memory_space<semaphore_mem>> -> memref<1x!tpu.dma_semaphore, #tpu.memory_space<semaphore_mem>>
    %dma_start3A_113 = tpu.memref_squeeze %dma_start3A_112 : memref<1x!tpu.dma_semaphore, #tpu.memory_space<semaphore_mem>> -> memref<!tpu.dma_semaphore, #tpu.memory_space<semaphore_mem>>
    tpu.enqueue_indirect_dma source(%dma_start3A_111 : memref<32768x128xf32, #tpu.memory_space<hbm>>) target(%dma_start3A_105 : memref<128x128xf32, #tpu.memory_space<vmem>>) offsets(%dma_start3A_108 : memref<128xi32, #tpu.memory_space<vmem>>) semaphore(%dma_start3A_113 : memref<!tpu.dma_semaphore, #tpu.memory_space<semaphore_mem>>)
    %dma_start3A_114 = arith.constant 5 : i32
    %dma_start3A_115 = arith.constant 5 : i32
    %dma_start3A_116 = arith.constant 5 : i32
    %dma_start3A_117 = arith.constant 0 : i32
    %dma_start3A_118 = arith.constant 0 : i32
    %dma_start3A_119 = tpu.memref_slice %arg11[%dma_start3A_115, %dma_start3A_117, %dma_start3A_118] : memref<6x128x128xf32, #tpu.memory_space<vmem>> -> memref<1x128x128xf32, #tpu.memory_space<vmem>>
    %dma_start3A_120 = tpu.memref_squeeze %dma_start3A_119 : memref<1x128x128xf32, #tpu.memory_space<vmem>> -> memref<128x128xf32, #tpu.memory_space<vmem>>
    %dma_start3A_121 = arith.constant 0 : i32
    %dma_start3A_122 = tpu.memref_slice %arg10[%dma_start3A_114, %dma_start3A_121] : memref<32x128xi32, #tpu.memory_space<vmem>> -> memref<1x128xi32, #tpu.memory_space<vmem>>
    %dma_start3A_123 = tpu.memref_squeeze %dma_start3A_122 : memref<1x128xi32, #tpu.memory_space<vmem>> -> memref<128xi32, #tpu.memory_space<vmem>>
    %dma_start3A_124 = arith.constant 0 : i32
    %dma_start3A_125 = arith.constant 0 : i32
    %dma_start3A_126 = tpu.memref_slice %arg5[%dma_start3A_124, %dma_start3A_125] : memref<32768x128xf32, #tpu.memory_space<hbm>> -> memref<32768x128xf32, #tpu.memory_space<hbm>>
    %dma_start3A_127 = tpu.memref_slice %arg12[%dma_start3A_116] : memref<6x!tpu.dma_semaphore, #tpu.memory_space<semaphore_mem>> -> memref<1x!tpu.dma_semaphore, #tpu.memory_space<semaphore_mem>>
    %dma_start3A_128 = tpu.memref_squeeze %dma_start3A_127 : memref<1x!tpu.dma_semaphore, #tpu.memory_space<semaphore_mem>> -> memref<!tpu.dma_semaphore, #tpu.memory_space<semaphore_mem>>
    tpu.enqueue_indirect_dma source(%dma_start3A_126 : memref<32768x128xf32, #tpu.memory_space<hbm>>) target(%dma_start3A_120 : memref<128x128xf32, #tpu.memory_space<vmem>>) offsets(%dma_start3A_123 : memref<128xi32, #tpu.memory_space<vmem>>) semaphore(%dma_start3A_128 : memref<!tpu.dma_semaphore, #tpu.memory_space<semaphore_mem>>)
    %scan3A_129 = arith.constant 0 : i32
    %scan3A_130 = arith.constant 0 : i32
    %scan3A_131 = arith.constant 32 : i32
    %scan3A_132 = arith.addi %scan3A_130, %scan3A_131 : i32
    %scan3A_133 = arith.constant 1 : i32
    scf.for %scan3A_242 = %scan3A_130 to %scan3A_132 step %scan3A_133  : i32 {
      %rem3A_243 = arith.constant 6 : i32
      %rem3A_244 = arith.remsi %scan3A_242, %rem3A_243 : i32
      %dma_wait3A_245 = arith.constant 0 : i32
      %dma_wait3A_246 = arith.constant 0 : i32
      %dma_wait3A_247 = tpu.memref_slice %arg11[%rem3A_244, %dma_wait3A_245, %dma_wait3A_246] : memref<6x128x128xf32, #tpu.memory_space<vmem>> -> memref<1x128x128xf32, #tpu.memory_space<vmem>>
      %dma_wait3A_248 = tpu.memref_squeeze %dma_wait3A_247 : memref<1x128x128xf32, #tpu.memory_space<vmem>> -> memref<128x128xf32, #tpu.memory_space<vmem>>
      %dma_wait3A_249 = arith.constant 0 : i32
      %dma_wait3A_250 = tpu.memref_slice %arg10[%scan3A_242, %dma_wait3A_249] : memref<32x128xi32, #tpu.memory_space<vmem>> -> memref<1x128xi32, #tpu.memory_space<vmem>>
      %dma_wait3A_251 = tpu.memref_squeeze %dma_wait3A_250 : memref<1x128xi32, #tpu.memory_space<vmem>> -> memref<128xi32, #tpu.memory_space<vmem>>
      %dma_wait3A_252 = arith.constant 0 : i32
      %dma_wait3A_253 = arith.constant 0 : i32
      %dma_wait3A_254 = tpu.memref_slice %arg5[%dma_wait3A_252, %dma_wait3A_253] : memref<32768x128xf32, #tpu.memory_space<hbm>> -> memref<32768x128xf32, #tpu.memory_space<hbm>>
      %dma_wait3A_255 = tpu.memref_slice %arg12[%rem3A_244] : memref<6x!tpu.dma_semaphore, #tpu.memory_space<semaphore_mem>> -> memref<1x!tpu.dma_semaphore, #tpu.memory_space<semaphore_mem>>
      %dma_wait3A_256 = tpu.memref_squeeze %dma_wait3A_255 : memref<1x!tpu.dma_semaphore, #tpu.memory_space<semaphore_mem>> -> memref<!tpu.dma_semaphore, #tpu.memory_space<semaphore_mem>>
      tpu.wait_indirect_dma semaphore(%dma_wait3A_256 : memref<!tpu.dma_semaphore, #tpu.memory_space<semaphore_mem>>) src(%dma_wait3A_254 : memref<32768x128xf32, #tpu.memory_space<hbm>>) dst(%dma_wait3A_248 : memref<128x128xf32, #tpu.memory_space<vmem>>)
      %mul3A_257 = arith.constant 128 : i32
      %mul3A_258 = arith.muli %scan3A_242, %mul3A_257 : i32
      %add3A_259 = arith.addi %mul3A_2, %mul3A_258 : i32
      %dma_start3A_260 = arith.constant 0 : i32
      %dma_start3A_261 = arith.constant 0 : i32
      %dma_start3A_262 = tpu.memref_slice %arg11[%rem3A_244, %dma_start3A_260, %dma_start3A_261] : memref<6x128x128xf32, #tpu.memory_space<vmem>> -> memref<1x128x128xf32, #tpu.memory_space<vmem>>
      %dma_start3A_263 = tpu.memref_squeeze %dma_start3A_262 : memref<1x128x128xf32, #tpu.memory_space<vmem>> -> memref<128x128xf32, #tpu.memory_space<vmem>>
      %dma_start3A_264 = arith.constant 0 : i32
      %dma_start3A_265 = tpu.memref_slice %arg6[%add3A_259, %dma_start3A_264] : memref<131072x128xf32, #tpu.memory_space<hbm>> -> memref<128x128xf32, #tpu.memory_space<hbm>>
      %dma_start3A_266 = tpu.memref_slice %arg13[%rem3A_244] : memref<6x!tpu.dma_semaphore, #tpu.memory_space<semaphore_mem>> -> memref<1x!tpu.dma_semaphore, #tpu.memory_space<semaphore_mem>>
      %dma_start3A_267 = tpu.memref_squeeze %dma_start3A_266 : memref<1x!tpu.dma_semaphore, #tpu.memory_space<semaphore_mem>> -> memref<!tpu.dma_semaphore, #tpu.memory_space<semaphore_mem>>
      %dma_start3A_268 = arith.constant 0 : i32
      %dma_start3A_269 = tpu.memref_slice %arg6[%add3A_259, %dma_start3A_268] : memref<131072x128xf32, #tpu.memory_space<hbm>> -> memref<128x128xf32, #tpu.memory_space<hbm>>
      %dma_start3A_270 = arith.constant 0 : i32
      %dma_start3A_271 = arith.constant 0 : i32
      %dma_start3A_272 = tpu.memref_slice %arg11[%rem3A_244, %dma_start3A_270, %dma_start3A_271] : memref<6x128x128xf32, #tpu.memory_space<vmem>> -> memref<1x128x128xf32, #tpu.memory_space<vmem>>
      %dma_start3A_273 = tpu.memref_squeeze %dma_start3A_272 : memref<1x128x128xf32, #tpu.memory_space<vmem>> -> memref<128x128xf32, #tpu.memory_space<vmem>>
      tpu.enqueue_dma source(%dma_start3A_273 : memref<128x128xf32, #tpu.memory_space<vmem>>) target(%dma_start3A_269 : memref<128x128xf32, #tpu.memory_space<hbm>>) target_semaphore(%dma_start3A_267 : memref<!tpu.dma_semaphore, #tpu.memory_space<semaphore_mem>>)
      %ge3A = arith.constant 2 : i32
      %ge3A_274 = arith.cmpi sge, %scan3A_242, %ge3A : i32
      %add3A_275 = arith.constant 6 : i32
      %add3A_276 = arith.addi %scan3A_242, %add3A_275 : i32
      %sub3A_277 = arith.constant 2 : i32
      %sub3A_278 = arith.subi %add3A_276, %sub3A_277 : i32
      %lt3A_279 = arith.constant 32 : i32
      %lt3A_280 = arith.cmpi slt, %sub3A_278, %lt3A_279 : i32
      %and3A_281 = arith.andi %ge3A_274, %lt3A_280 : i1
      %convert_element_type3A = arith.extui %and3A_281 : i1 to i32
      %cond3A = arith.constant 0 : i32
      %cond3A_282 = arith.cmpi ne, %convert_element_type3A, %cond3A : i32
      scf.if %cond3A_282 {
        %sub3A_283 = arith.constant 2 : i32
        %sub3A_284 = arith.subi %scan3A_242, %sub3A_283 : i32
        %rem3A_285 = arith.constant 6 : i32
        %rem3A_286 = arith.remsi %sub3A_284, %rem3A_285 : i32
        %sub3A_287 = arith.constant 2 : i32
        %sub3A_288 = arith.subi %scan3A_242, %sub3A_287 : i32
        %mul3A_289 = arith.constant 128 : i32
        %mul3A_290 = arith.muli %sub3A_288, %mul3A_289 : i32
        %add3A_291 = arith.addi %mul3A_2, %mul3A_290 : i32
        %dma_wait3A_292 = arith.constant 0 : i32
        %dma_wait3A_293 = arith.constant 0 : i32
        %dma_wait3A_294 = tpu.memref_slice %arg11[%rem3A_286, %dma_wait3A_292, %dma_wait3A_293] : memref<6x128x128xf32, #tpu.memory_space<vmem>> -> memref<1x128x128xf32, #tpu.memory_space<vmem>>
        %dma_wait3A_295 = tpu.memref_squeeze %dma_wait3A_294 : memref<1x128x128xf32, #tpu.memory_space<vmem>> -> memref<128x128xf32, #tpu.memory_space<vmem>>
        %dma_wait3A_296 = arith.constant 0 : i32
        %dma_wait3A_297 = tpu.memref_slice %arg6[%add3A_291, %dma_wait3A_296] : memref<131072x128xf32, #tpu.memory_space<hbm>> -> memref<128x128xf32, #tpu.memory_space<hbm>>
        %dma_wait3A_298 = tpu.memref_slice %arg13[%rem3A_286] : memref<6x!tpu.dma_semaphore, #tpu.memory_space<semaphore_mem>> -> memref<1x!tpu.dma_semaphore, #tpu.memory_space<semaphore_mem>>
        %dma_wait3A_299 = tpu.memref_squeeze %dma_wait3A_298 : memref<1x!tpu.dma_semaphore, #tpu.memory_space<semaphore_mem>> -> memref<!tpu.dma_semaphore, #tpu.memory_space<semaphore_mem>>
        %dma_wait3A_300 = arith.constant 0 : i32
        %dma_wait3A_301 = tpu.memref_slice %arg6[%add3A_291, %dma_wait3A_300] : memref<131072x128xf32, #tpu.memory_space<hbm>> -> memref<128x128xf32, #tpu.memory_space<hbm>>
        %dma_wait3A_302 = arith.constant 0 : i32
        %dma_wait3A_303 = arith.constant 0 : i32
        %dma_wait3A_304 = tpu.memref_slice %arg11[%rem3A_286, %dma_wait3A_302, %dma_wait3A_303] : memref<6x128x128xf32, #tpu.memory_space<vmem>> -> memref<1x128x128xf32, #tpu.memory_space<vmem>>
        %dma_wait3A_305 = tpu.memref_squeeze %dma_wait3A_304 : memref<1x128x128xf32, #tpu.memory_space<vmem>> -> memref<128x128xf32, #tpu.memory_space<vmem>>
        tpu.wait_dma2 semaphore(%dma_wait3A_299 : memref<!tpu.dma_semaphore, #tpu.memory_space<semaphore_mem>>) src(%dma_wait3A_305 : memref<128x128xf32, #tpu.memory_space<vmem>>) dst(%dma_wait3A_301 : memref<128x128xf32, #tpu.memory_space<hbm>>)
        %sub3A_306 = arith.constant 2 : i32
        %sub3A_307 = arith.subi %scan3A_242, %sub3A_306 : i32
        %add3A_308 = arith.constant 6 : i32
        %add3A_309 = arith.addi %sub3A_307, %add3A_308 : i32
        %dma_start3A_310 = arith.constant 0 : i32
        %dma_start3A_311 = arith.constant 0 : i32
        %dma_start3A_312 = tpu.memref_slice %arg11[%rem3A_286, %dma_start3A_310, %dma_start3A_311] : memref<6x128x128xf32, #tpu.memory_space<vmem>> -> memref<1x128x128xf32, #tpu.memory_space<vmem>>
        %dma_start3A_313 = tpu.memref_squeeze %dma_start3A_312 : memref<1x128x128xf32, #tpu.memory_space<vmem>> -> memref<128x128xf32, #tpu.memory_space<vmem>>
        %dma_start3A_314 = arith.constant 0 : i32
        %dma_start3A_315 = tpu.memref_slice %arg10[%add3A_309, %dma_start3A_314] : memref<32x128xi32, #tpu.memory_space<vmem>> -> memref<1x128xi32, #tpu.memory_space<vmem>>
        %dma_start3A_316 = tpu.memref_squeeze %dma_start3A_315 : memref<1x128xi32, #tpu.memory_space<vmem>> -> memref<128xi32, #tpu.memory_space<vmem>>
        %dma_start3A_317 = arith.constant 0 : i32
        %dma_start3A_318 = arith.constant 0 : i32
        %dma_start3A_319 = tpu.memref_slice %arg5[%dma_start3A_317, %dma_start3A_318] : memref<32768x128xf32, #tpu.memory_space<hbm>> -> memref<32768x128xf32, #tpu.memory_space<hbm>>
        %dma_start3A_320 = tpu.memref_slice %arg12[%rem3A_286] : memref<6x!tpu.dma_semaphore, #tpu.memory_space<semaphore_mem>> -> memref<1x!tpu.dma_semaphore, #tpu.memory_space<semaphore_mem>>
        %dma_start3A_321 = tpu.memref_squeeze %dma_start3A_320 : memref<1x!tpu.dma_semaphore, #tpu.memory_space<semaphore_mem>> -> memref<!tpu.dma_semaphore, #tpu.memory_space<semaphore_mem>>
        tpu.enqueue_indirect_dma source(%dma_start3A_319 : memref<32768x128xf32, #tpu.memory_space<hbm>>) target(%dma_start3A_313 : memref<128x128xf32, #tpu.memory_space<vmem>>) offsets(%dma_start3A_316 : memref<128xi32, #tpu.memory_space<vmem>>) semaphore(%dma_start3A_321 : memref<!tpu.dma_semaphore, #tpu.memory_space<semaphore_mem>>)
      } else {
      }
    }
    %scan3A_134 = arith.constant 32 : i32
    %add3A_135 = arith.constant 0 : i32
    %add3A_136 = arith.addi %mul3A_2, %add3A_135 : i32
    %dma_wait3A = arith.constant 0 : i32
    %dma_wait3A_137 = arith.constant 0 : i32
    %dma_wait3A_138 = arith.constant 0 : i32
    %dma_wait3A_139 = arith.constant 0 : i32
    %dma_wait3A_140 = tpu.memref_slice %arg11[%dma_wait3A, %dma_wait3A_138, %dma_wait3A_139] : memref<6x128x128xf32, #tpu.memory_space<vmem>> -> memref<1x128x128xf32, #tpu.memory_space<vmem>>
    %dma_wait3A_141 = tpu.memref_squeeze %dma_wait3A_140 : memref<1x128x128xf32, #tpu.memory_space<vmem>> -> memref<128x128xf32, #tpu.memory_space<vmem>>
    %dma_wait3A_142 = arith.constant 0 : i32
    %dma_wait3A_143 = tpu.memref_slice %arg6[%add3A_136, %dma_wait3A_142] : memref<131072x128xf32, #tpu.memory_space<hbm>> -> memref<128x128xf32, #tpu.memory_space<hbm>>
    %dma_wait3A_144 = tpu.memref_slice %arg13[%dma_wait3A_137] : memref<6x!tpu.dma_semaphore, #tpu.memory_space<semaphore_mem>> -> memref<1x!tpu.dma_semaphore, #tpu.memory_space<semaphore_mem>>
    %dma_wait3A_145 = tpu.memref_squeeze %dma_wait3A_144 : memref<1x!tpu.dma_semaphore, #tpu.memory_space<semaphore_mem>> -> memref<!tpu.dma_semaphore, #tpu.memory_space<semaphore_mem>>
    %dma_wait3A_146 = arith.constant 0 : i32
    %dma_wait3A_147 = tpu.memref_slice %arg6[%add3A_136, %dma_wait3A_146] : memref<131072x128xf32, #tpu.memory_space<hbm>> -> memref<128x128xf32, #tpu.memory_space<hbm>>
    %dma_wait3A_148 = arith.constant 0 : i32
    %dma_wait3A_149 = arith.constant 0 : i32
    %dma_wait3A_150 = tpu.memref_slice %arg11[%dma_wait3A, %dma_wait3A_148, %dma_wait3A_149] : memref<6x128x128xf32, #tpu.memory_space<vmem>> -> memref<1x128x128xf32, #tpu.memory_space<vmem>>
    %dma_wait3A_151 = tpu.memref_squeeze %dma_wait3A_150 : memref<1x128x128xf32, #tpu.memory_space<vmem>> -> memref<128x128xf32, #tpu.memory_space<vmem>>
    tpu.wait_dma2 semaphore(%dma_wait3A_145 : memref<!tpu.dma_semaphore, #tpu.memory_space<semaphore_mem>>) src(%dma_wait3A_151 : memref<128x128xf32, #tpu.memory_space<vmem>>) dst(%dma_wait3A_147 : memref<128x128xf32, #tpu.memory_space<hbm>>)
    %add3A_152 = arith.constant 0 : i32
    %add3A_153 = arith.addi %mul3A_2, %add3A_152 : i32
    %dma_wait3A_154 = arith.constant 1 : i32
    %dma_wait3A_155 = arith.constant 1 : i32
    %dma_wait3A_156 = arith.constant 0 : i32
    %dma_wait3A_157 = arith.constant 0 : i32
    %dma_wait3A_158 = tpu.memref_slice %arg11[%dma_wait3A_154, %dma_wait3A_156, %dma_wait3A_157] : memref<6x128x128xf32, #tpu.memory_space<vmem>> -> memref<1x128x128xf32, #tpu.memory_space<vmem>>
    %dma_wait3A_159 = tpu.memref_squeeze %dma_wait3A_158 : memref<1x128x128xf32, #tpu.memory_space<vmem>> -> memref<128x128xf32, #tpu.memory_space<vmem>>
    %dma_wait3A_160 = arith.constant 0 : i32
    %dma_wait3A_161 = tpu.memref_slice %arg6[%add3A_153, %dma_wait3A_160] : memref<131072x128xf32, #tpu.memory_space<hbm>> -> memref<128x128xf32, #tpu.memory_space<hbm>>
    %dma_wait3A_162 = tpu.memref_slice %arg13[%dma_wait3A_155] : memref<6x!tpu.dma_semaphore, #tpu.memory_space<semaphore_mem>> -> memref<1x!tpu.dma_semaphore, #tpu.memory_space<semaphore_mem>>
    %dma_wait3A_163 = tpu.memref_squeeze %dma_wait3A_162 : memref<1x!tpu.dma_semaphore, #tpu.memory_space<semaphore_mem>> -> memref<!tpu.dma_semaphore, #tpu.memory_space<semaphore_mem>>
    %dma_wait3A_164 = arith.constant 0 : i32
    %dma_wait3A_165 = tpu.memref_slice %arg6[%add3A_153, %dma_wait3A_164] : memref<131072x128xf32, #tpu.memory_space<hbm>> -> memref<128x128xf32, #tpu.memory_space<hbm>>
    %dma_wait3A_166 = arith.constant 0 : i32
    %dma_wait3A_167 = arith.constant 0 : i32
    %dma_wait3A_168 = tpu.memref_slice %arg11[%dma_wait3A_154, %dma_wait3A_166, %dma_wait3A_167] : memref<6x128x128xf32, #tpu.memory_space<vmem>> -> memref<1x128x128xf32, #tpu.memory_space<vmem>>
    %dma_wait3A_169 = tpu.memref_squeeze %dma_wait3A_168 : memref<1x128x128xf32, #tpu.memory_space<vmem>> -> memref<128x128xf32, #tpu.memory_space<vmem>>
    tpu.wait_dma2 semaphore(%dma_wait3A_163 : memref<!tpu.dma_semaphore, #tpu.memory_space<semaphore_mem>>) src(%dma_wait3A_169 : memref<128x128xf32, #tpu.memory_space<vmem>>) dst(%dma_wait3A_165 : memref<128x128xf32, #tpu.memory_space<hbm>>)
    %add3A_170 = arith.constant 0 : i32
    %add3A_171 = arith.addi %mul3A_2, %add3A_170 : i32
    %dma_wait3A_172 = arith.constant 2 : i32
    %dma_wait3A_173 = arith.constant 2 : i32
    %dma_wait3A_174 = arith.constant 0 : i32
    %dma_wait3A_175 = arith.constant 0 : i32
    %dma_wait3A_176 = tpu.memref_slice %arg11[%dma_wait3A_172, %dma_wait3A_174, %dma_wait3A_175] : memref<6x128x128xf32, #tpu.memory_space<vmem>> -> memref<1x128x128xf32, #tpu.memory_space<vmem>>
    %dma_wait3A_177 = tpu.memref_squeeze %dma_wait3A_176 : memref<1x128x128xf32, #tpu.memory_space<vmem>> -> memref<128x128xf32, #tpu.memory_space<vmem>>
    %dma_wait3A_178 = arith.constant 0 : i32
    %dma_wait3A_179 = tpu.memref_slice %arg6[%add3A_171, %dma_wait3A_178] : memref<131072x128xf32, #tpu.memory_space<hbm>> -> memref<128x128xf32, #tpu.memory_space<hbm>>
    %dma_wait3A_180 = tpu.memref_slice %arg13[%dma_wait3A_173] : memref<6x!tpu.dma_semaphore, #tpu.memory_space<semaphore_mem>> -> memref<1x!tpu.dma_semaphore, #tpu.memory_space<semaphore_mem>>
    %dma_wait3A_181 = tpu.memref_squeeze %dma_wait3A_180 : memref<1x!tpu.dma_semaphore, #tpu.memory_space<semaphore_mem>> -> memref<!tpu.dma_semaphore, #tpu.memory_space<semaphore_mem>>
    %dma_wait3A_182 = arith.constant 0 : i32
    %dma_wait3A_183 = tpu.memref_slice %arg6[%add3A_171, %dma_wait3A_182] : memref<131072x128xf32, #tpu.memory_space<hbm>> -> memref<128x128xf32, #tpu.memory_space<hbm>>
    %dma_wait3A_184 = arith.constant 0 : i32
    %dma_wait3A_185 = arith.constant 0 : i32
    %dma_wait3A_186 = tpu.memref_slice %arg11[%dma_wait3A_172, %dma_wait3A_184, %dma_wait3A_185] : memref<6x128x128xf32, #tpu.memory_space<vmem>> -> memref<1x128x128xf32, #tpu.memory_space<vmem>>
    %dma_wait3A_187 = tpu.memref_squeeze %dma_wait3A_186 : memref<1x128x128xf32, #tpu.memory_space<vmem>> -> memref<128x128xf32, #tpu.memory_space<vmem>>
    tpu.wait_dma2 semaphore(%dma_wait3A_181 : memref<!tpu.dma_semaphore, #tpu.memory_space<semaphore_mem>>) src(%dma_wait3A_187 : memref<128x128xf32, #tpu.memory_space<vmem>>) dst(%dma_wait3A_183 : memref<128x128xf32, #tpu.memory_space<hbm>>)
    %add3A_188 = arith.constant 0 : i32
    %add3A_189 = arith.addi %mul3A_2, %add3A_188 : i32
    %dma_wait3A_190 = arith.constant 3 : i32
    %dma_wait3A_191 = arith.constant 3 : i32
    %dma_wait3A_192 = arith.constant 0 : i32
    %dma_wait3A_193 = arith.constant 0 : i32
    %dma_wait3A_194 = tpu.memref_slice %arg11[%dma_wait3A_190, %dma_wait3A_192, %dma_wait3A_193] : memref<6x128x128xf32, #tpu.memory_space<vmem>> -> memref<1x128x128xf32, #tpu.memory_space<vmem>>
    %dma_wait3A_195 = tpu.memref_squeeze %dma_wait3A_194 : memref<1x128x128xf32, #tpu.memory_space<vmem>> -> memref<128x128xf32, #tpu.memory_space<vmem>>
    %dma_wait3A_196 = arith.constant 0 : i32
    %dma_wait3A_197 = tpu.memref_slice %arg6[%add3A_189, %dma_wait3A_196] : memref<131072x128xf32, #tpu.memory_space<hbm>> -> memref<128x128xf32, #tpu.memory_space<hbm>>
    %dma_wait3A_198 = tpu.memref_slice %arg13[%dma_wait3A_191] : memref<6x!tpu.dma_semaphore, #tpu.memory_space<semaphore_mem>> -> memref<1x!tpu.dma_semaphore, #tpu.memory_space<semaphore_mem>>
    %dma_wait3A_199 = tpu.memref_squeeze %dma_wait3A_198 : memref<1x!tpu.dma_semaphore, #tpu.memory_space<semaphore_mem>> -> memref<!tpu.dma_semaphore, #tpu.memory_space<semaphore_mem>>
    %dma_wait3A_200 = arith.constant 0 : i32
    %dma_wait3A_201 = tpu.memref_slice %arg6[%add3A_189, %dma_wait3A_200] : memref<131072x128xf32, #tpu.memory_space<hbm>> -> memref<128x128xf32, #tpu.memory_space<hbm>>
    %dma_wait3A_202 = arith.constant 0 : i32
    %dma_wait3A_203 = arith.constant 0 : i32
    %dma_wait3A_204 = tpu.memref_slice %arg11[%dma_wait3A_190, %dma_wait3A_202, %dma_wait3A_203] : memref<6x128x128xf32, #tpu.memory_space<vmem>> -> memref<1x128x128xf32, #tpu.memory_space<vmem>>
    %dma_wait3A_205 = tpu.memref_squeeze %dma_wait3A_204 : memref<1x128x128xf32, #tpu.memory_space<vmem>> -> memref<128x128xf32, #tpu.memory_space<vmem>>
    tpu.wait_dma2 semaphore(%dma_wait3A_199 : memref<!tpu.dma_semaphore, #tpu.memory_space<semaphore_mem>>) src(%dma_wait3A_205 : memref<128x128xf32, #tpu.memory_space<vmem>>) dst(%dma_wait3A_201 : memref<128x128xf32, #tpu.memory_space<hbm>>)
    %add3A_206 = arith.constant 0 : i32
    %add3A_207 = arith.addi %mul3A_2, %add3A_206 : i32
    %dma_wait3A_208 = arith.constant 4 : i32
    %dma_wait3A_209 = arith.constant 4 : i32
    %dma_wait3A_210 = arith.constant 0 : i32
    %dma_wait3A_211 = arith.constant 0 : i32
    %dma_wait3A_212 = tpu.memref_slice %arg11[%dma_wait3A_208, %dma_wait3A_210, %dma_wait3A_211] : memref<6x128x128xf32, #tpu.memory_space<vmem>> -> memref<1x128x128xf32, #tpu.memory_space<vmem>>
    %dma_wait3A_213 = tpu.memref_squeeze %dma_wait3A_212 : memref<1x128x128xf32, #tpu.memory_space<vmem>> -> memref<128x128xf32, #tpu.memory_space<vmem>>
    %dma_wait3A_214 = arith.constant 0 : i32
    %dma_wait3A_215 = tpu.memref_slice %arg6[%add3A_207, %dma_wait3A_214] : memref<131072x128xf32, #tpu.memory_space<hbm>> -> memref<128x128xf32, #tpu.memory_space<hbm>>
    %dma_wait3A_216 = tpu.memref_slice %arg13[%dma_wait3A_209] : memref<6x!tpu.dma_semaphore, #tpu.memory_space<semaphore_mem>> -> memref<1x!tpu.dma_semaphore, #tpu.memory_space<semaphore_mem>>
    %dma_wait3A_217 = tpu.memref_squeeze %dma_wait3A_216 : memref<1x!tpu.dma_semaphore, #tpu.memory_space<semaphore_mem>> -> memref<!tpu.dma_semaphore, #tpu.memory_space<semaphore_mem>>
    %dma_wait3A_218 = arith.constant 0 : i32
    %dma_wait3A_219 = tpu.memref_slice %arg6[%add3A_207, %dma_wait3A_218] : memref<131072x128xf32, #tpu.memory_space<hbm>> -> memref<128x128xf32, #tpu.memory_space<hbm>>
    %dma_wait3A_220 = arith.constant 0 : i32
    %dma_wait3A_221 = arith.constant 0 : i32
    %dma_wait3A_222 = tpu.memref_slice %arg11[%dma_wait3A_208, %dma_wait3A_220, %dma_wait3A_221] : memref<6x128x128xf32, #tpu.memory_space<vmem>> -> memref<1x128x128xf32, #tpu.memory_space<vmem>>
    %dma_wait3A_223 = tpu.memref_squeeze %dma_wait3A_222 : memref<1x128x128xf32, #tpu.memory_space<vmem>> -> memref<128x128xf32, #tpu.memory_space<vmem>>
    tpu.wait_dma2 semaphore(%dma_wait3A_217 : memref<!tpu.dma_semaphore, #tpu.memory_space<semaphore_mem>>) src(%dma_wait3A_223 : memref<128x128xf32, #tpu.memory_space<vmem>>) dst(%dma_wait3A_219 : memref<128x128xf32, #tpu.memory_space<hbm>>)
    %add3A_224 = arith.constant 0 : i32
    %add3A_225 = arith.addi %mul3A_2, %add3A_224 : i32
    %dma_wait3A_226 = arith.constant 5 : i32
    %dma_wait3A_227 = arith.constant 5 : i32
    %dma_wait3A_228 = arith.constant 0 : i32
    %dma_wait3A_229 = arith.constant 0 : i32
    %dma_wait3A_230 = tpu.memref_slice %arg11[%dma_wait3A_226, %dma_wait3A_228, %dma_wait3A_229] : memref<6x128x128xf32, #tpu.memory_space<vmem>> -> memref<1x128x128xf32, #tpu.memory_space<vmem>>
    %dma_wait3A_231 = tpu.memref_squeeze %dma_wait3A_230 : memref<1x128x128xf32, #tpu.memory_space<vmem>> -> memref<128x128xf32, #tpu.memory_space<vmem>>
    %dma_wait3A_232 = arith.constant 0 : i32
    %dma_wait3A_233 = tpu.memref_slice %arg6[%add3A_225, %dma_wait3A_232] : memref<131072x128xf32, #tpu.memory_space<hbm>> -> memref<128x128xf32, #tpu.memory_space<hbm>>
    %dma_wait3A_234 = tpu.memref_slice %arg13[%dma_wait3A_227] : memref<6x!tpu.dma_semaphore, #tpu.memory_space<semaphore_mem>> -> memref<1x!tpu.dma_semaphore, #tpu.memory_space<semaphore_mem>>
    %dma_wait3A_235 = tpu.memref_squeeze %dma_wait3A_234 : memref<1x!tpu.dma_semaphore, #tpu.memory_space<semaphore_mem>> -> memref<!tpu.dma_semaphore, #tpu.memory_space<semaphore_mem>>
    %dma_wait3A_236 = arith.constant 0 : i32
    %dma_wait3A_237 = tpu.memref_slice %arg6[%add3A_225, %dma_wait3A_236] : memref<131072x128xf32, #tpu.memory_space<hbm>> -> memref<128x128xf32, #tpu.memory_space<hbm>>
    %dma_wait3A_238 = arith.constant 0 : i32
    %dma_wait3A_239 = arith.constant 0 : i32
    %dma_wait3A_240 = tpu.memref_slice %arg11[%dma_wait3A_226, %dma_wait3A_238, %dma_wait3A_239] : memref<6x128x128xf32, #tpu.memory_space<vmem>> -> memref<1x128x128xf32, #tpu.memory_space<vmem>>
    %dma_wait3A_241 = tpu.memref_squeeze %dma_wait3A_240 : memref<1x128x128xf32, #tpu.memory_space<vmem>> -> memref<128x128xf32, #tpu.memory_space<vmem>>
    tpu.wait_dma2 semaphore(%dma_wait3A_235 : memref<!tpu.dma_semaphore, #tpu.memory_space<semaphore_mem>>) src(%dma_wait3A_241 : memref<128x128xf32, #tpu.memory_space<vmem>>) dst(%dma_wait3A_237 : memref<128x128xf32, #tpu.memory_space<hbm>>)
    return
  }
}

</mosaic_0001>

<sc_bundles>
// kernel: kernel.3.cloned.1.call-start
scs
__scs_entry_jumppad:
0x0: {  	(pc) =	sbr.rel $0x88, $3  }
0x1: {  	(tag) =	ssettag $0x0;
	lr =	simm.s32 $0x1  }
0x2: {  	[smem:$0x3F9F] =	sst lr;
	_ =	strace $0xD0000000  }
0x3: {  	_ = 	snop  }
0x4: {  	_ = 	snop  }
0x5: {  	_ = 	snop  }
0x6: {  	_ = 	snop  }
0x7: {  	_ = 	snop  }
__scs_overlays_trampoline_lowered:
0x8: {  	[smem:$0x3FAE] =	sst s0  }
0x9: {  	[smem:$0x3FAF] =	sst s1  }
0xa: {  	[smem:$0x3FB0] =	sst s2  }
0xb: {  	[smem:$0x3FB1] =	sst s3  }
0xc: {  	[smem:$0x3FB2] =	sst s4  }
0xd: {  	[smem:$0x3FB3] =	sst s5  }
0xe: {  	[smem:$0x3FB4] =	sst s6  }
0xf: {  	[smem:$0x3FB5] =	sst s7  }
0x10: {  	[smem:$0x3FB6] =	sst s8  }
0x11: {  	[smem:$0x3FB7] =	sst s9;
	s0 =	simm.s32 @!p0 $0x0  }
0x12: {  	s1 =	sld [smem:$0x3F9D];
	s0 =	simm.s32 @p0 $0x1  }
0x13: {  	[smem:$0x3FB8] =	sst s0;
	s0 =	simm.s32 @!p1 $0x0  }
0x14: {  	s2 =	sld [smem:$0x3F9C];
	s0 =	simm.s32 @p1 $0x1  }
0x15: {  	[smem:$0x3FB9] =	sst s0;
	s0 =	simm.s32 @!p2 $0x0  }
0x16: {  	s3 =	sld [smem:$0x3FDB];
	s0 =	simm.s32 @p2 $0x1  }
0x17: {  	s4 =	simm.s32 $0x1BF5;
	[smem:$0x3FBB] =	sst s0  }
0x18: {  	s0 =	sld [smem:$0x3F9E];
	_ =	swait.ge [sflag:s4], $0x0  }
0x19: {  	s7 =	sld [smem:$0x3F9F]  }
0x1a: {  	s8 =	sadd.s32 $0xFFFFE003, lr  }
0x1b: {  	s9 =	sadd.s32 $0xFFFFFEF7, lr;
	s5 =	simm.s32 $0xFFFFFFFF;
	p2 =	slt.u32 s8, $0xFFFFF086  }
0x1c: {  	p1 =	slt.u32 s9, $0xF7A;
	s5 =	simm.s32 @!p2 $0x0  }
0x1d: {  	s5 =	simm.s32 @p1 $0x1;
	p0 =	seq.s32 s7, s2  }
0x1e: {  	s7 =	smul.u32 @!p0 $0xF7A, s2;
	p2 =	seq.s32 @!p0 s5, $0x0  }
0x1f: {  	s9 =	smul.u32 $0xF7A, s1;
	s8 =	simm.s32 @!p0 $0x1BF5;
	p2 =	por !p2, p0  }
0x20: {  	[sflag:s8] =	ssyncset.s32 @!p0 $0xFFFFF086;
	s6 =	sadd.s32 @!p0 s3, s7;
	s7 =	simm.s32 @!p0 $0x108  }
0x21: {  	s3 =	sadd.s32 s3, s9;
	s6 =	sadd.s32 @!p0 $0x88, s6;
	s7 =	simm.s32 @p2 $0x1082  }
0x22: {  	[simem:s7], [sflag:s8] =	dma.local @!p0 [hbm:s6], $0xF7A  }
0x23: {  	s9 =	sor.u32 $0xD0000000, s2;
	s6 =	simm.s32 $0x108;
	_ =	swait.ge @!p0 [sflag:s8], $0x0  }
0x24: {  	s3 =	sadd.s32 $0x88, s3;
	s6 =	simm.s32 @!p1 $0x1082;
	[sflag:s4] =	ssyncset.s32 $0xFFFFF086  }
0x25: {  	[simem:s6], [sflag:s4] =	dma.local [hbm:s3], $0xF7A  }
0x26: {  	[smem:$0x3F9F] =	sst s1;
	(tag) =	ssettag s2;
	_ =	strace s9  }
0x27: {  	s1 =	sld [smem:$0x3FAF]  }
0x28: {  	s2 =	sld [smem:$0x3FB0]  }
0x29: {  	s4 =	sld [smem:$0x3FB2]  }
0x2a: {  	p0 =	seq.s32 s5, $0x0;
	s5 =	sld [smem:$0x3FB3]  }
0x2b: {  	s6 =	sld [smem:$0x3FB4]  }
0x2c: {  	s7 =	sld [smem:$0x3FB5]  }
0x2d: {  	s3 =	simm.s32 $0x108;
	s8 =	sld [smem:$0x3FB6]  }
0x2e: {  	s3 =	simm.s32 @!p0 $0x1082;
	s9 =	sld [smem:$0x3FB7]  }
0x2f: {  	lr =	sadd.s32 s0, s3;
	s0 =	sld [smem:$0x3FAE]  }
0x30: {  	s3 =	sld [smem:$0x3FB1]  }
0x31: {  	[smem:$0x3FBA] =	sst s10  }
0x32: {  	s10 =	sld [smem:$0x3FB8];
	_ =	sdelay $0x3  }
0x33: {  	p0 =	seq.s32 s10, $0x1;
	s10 =	sld [smem:$0x3FBA];
	_ =	sdelay $0x3  }
0x34: {  	[smem:$0x3FBA] =	sst s10  }
0x35: {  	s10 =	sld [smem:$0x3FB9];
	_ =	sdelay $0x3  }
0x36: {  	p1 =	seq.s32 s10, $0x1;
	s10 =	sld [smem:$0x3FBA];
	_ =	sdelay $0x3  }
0x37: {  	[smem:$0x3FBA] =	sst s10  }
0x38: {  	s10 =	sld [smem:$0x3FBB]  }
0x39: {  	_ = 	snop;
	(pc) =	sbr.ind lr, $3  }
0x3a: {  	_ = 	snop  }
0x3b: {  	_ = 	snop  }
0x3c: {  	p2 =	seq.s32 s10, $0x1;
	s10 =	sld [smem:$0x3FBA]  }
0x3d: {  	_ =	shalt  }
0x3e: {  	_ =	shalt  }
0x3f: {  	_ =	shalt  }
0x40: {  	_ =	shalt  }
0x41: {  	_ =	shalt  }
0x42: {  	_ =	shalt  }
0x43: {  	_ =	shalt  }
0x44: {  	_ =	shalt  }
0x45: {  	_ =	shalt  }
0x46: {  	_ =	shalt  }
0x47: {  	_ =	shalt  }
0x48: {  	_ =	shalt  }
0x49: {  	_ =	shalt  }
0x4a: {  	_ =	shalt  }
0x4b: {  	_ =	shalt  }
0x4c: {  	_ =	shalt  }
0x4d: {  	_ =	shalt  }
0x4e: {  	_ =	shalt  }
0x4f: {  	_ =	shalt  }
0x50: {  	_ =	shalt  }
0x51: {  	_ =	shalt  }
0x52: {  	_ =	shalt  }
0x53: {  	_ =	shalt  }
0x54: {  	_ =	shalt  }
0x55: {  	_ =	shalt  }
0x56: {  	_ =	shalt  }
0x57: {  	_ =	shalt  }
0x58: {  	_ =	shalt  }
0x59: {  	_ =	shalt  }
0x5a: {  	_ =	shalt  }
0x5b: {  	_ =	shalt  }
0x5c: {  	_ =	shalt  }
0x5d: {  	_ =	shalt  }
0x5e: {  	_ =	shalt  }
0x5f: {  	_ =	shalt  }
0x60: {  	_ =	shalt  }
0x61: {  	_ =	shalt  }
0x62: {  	_ =	shalt  }
0x63: {  	_ =	shalt  }
0x64: {  	_ =	shalt  }
0x65: {  	_ =	shalt  }
0x66: {  	_ =	shalt  }
0x67: {  	_ =	shalt  }
0x68: {  	_ =	shalt  }
0x69: {  	_ =	shalt  }
0x6a: {  	_ =	shalt  }
0x6b: {  	_ =	shalt  }
0x6c: {  	_ =	shalt  }
0x6d: {  	_ =	shalt  }
0x6e: {  	_ =	shalt  }
0x6f: {  	_ =	shalt  }
0x70: {  	_ =	shalt  }
0x71: {  	_ =	shalt  }
0x72: {  	_ =	shalt  }
0x73: {  	_ =	shalt  }
0x74: {  	_ =	shalt  }
0x75: {  	_ =	shalt  }
0x76: {  	_ =	shalt  }
0x77: {  	_ =	shalt  }
0x78: {  	_ =	shalt  }
0x79: {  	_ =	shalt  }
0x7a: {  	_ =	shalt  }
0x7b: {  	_ =	shalt  }
0x7c: {  	_ =	shalt  }
0x7d: {  	_ =	shalt  }
0x7e: {  	_ =	shalt  }
0x7f: {  	_ =	shalt  }
0x80: {  	_ =	shalt  }
0x81: {  	_ =	shalt  }
0x82: {  	_ =	shalt  }
0x83: {  	_ =	shalt  }
0x84: {  	_ =	shalt  }
0x85: {  	_ =	shalt  }
0x86: {  	_ =	shalt  }
0x87: {  	_ =	shalt  }
.Lfunc_end0:
.L_simem_size_0:
called_computation_lowered:
.L_overlay_start_0:
0x88: {  	s2 =	sld [smem:$0x3FD9]  }
0x89: {  	s3 =	sld [smem:$0x3FFE];
	_ =	sdelay $0x1  }
0x8a: {  	s1 =	srdreg.scid  }
0x8b: {  	s0 =	sand.u32 $0x1, s1  }
0x8c: {  	s17 =	sshll.u32 s0, $0xA;
	s2 =	sadd.s32 s3, s2  }
0x8d: {  	s2 =	sadd.s32 s2, s17  }
0x8e: {  	[smem:$0x3FC6] =	sst s2  }
0x8f: {  	_ = 	snop  }
0x90: {  	s2 =	sld [smem:$0x3FC8]  }
0x91: {  	s18 =	sld [smem:$0x3FD0];
	(tm) =	ssettm $0x1  }
0x92: {  	s4 =	sld [smem:$0x3FFB];
	_ =	sdelay $0x3  }
0x93: {  	_ =	strace s4  }
0x94: {  	s4 =	sld [smem:$0x3FFC];
	_ =	sdelay $0x3  }
0x95: {  	_ =	strace s4  }
0x96: {  	s4 =	sld [smem:$0x3FFD];
	_ =	sdelay $0x3  }
0x97: {  	_ =	strace s4  }
0x98: {  	_ =	strace $0x8FFFFFFF  }
0x99: {  	s19 =	sld [smem:$0x3FDB];
	_ =	sdelay $0x1  }
0x9a: {  	s5 =	simm.s32 $_scs_section_size  }
0x9b: {  	s6 =	simm.s32 $_size__tile_overlayer_lowered;
	s7 =	simm.s32 $_tile_overlayer_lowered  }
0x9c: {  	s22 =	simm.s32 $0x1BFF;
	s21 =	sshll.u32 s7, $0x1;
	s4 =	sadd.s32 s5, s19  }
0x9d: {  	s8 =	simm.s32 $0x0;
	s20 =	sshll.u32 s6, $0x1;
	s6 =	sadd.s32 s21, s4  }
0x9e: {  	[timem:s8], [sflag:s22] =	dma.local [hbm:s6], s20  }
0x9f: {  	_ =	swait.ge [sflag:s22], s20  }
0xa0: {  	s5 =	ssub.s32 $0x0, s20;
	[sflag:s22] =	ssyncset.done $0x0  }
0xa1: {  	[sflag:s22] =	ssyncadd.s32 s5;
	_ =	sdelay $0x1  }
0xa2: {  	s23 =	simm.s32 $0x1B8B  }
0xa3: {  	_ =	swait.ge [sflag:s23], $0x1  }
0xa4: {  	[sflag:s23] =	ssyncset.done $0x0  }
0xa5: {  	s25 =	simm.s32 $0x1B8E;
	s24 =	sld [smem:$0x3FFE];
	[sflag:s23] =	ssyncadd.s32 $0xFFFFFFFF  }
0xa6: {  	s26 =	simm.s32 $execute0_lowered;
	[smem:$0x3FD2] =	sst s25  }
0xa7: {  	s6 =	sshll.u32 s26, $0x1;
	_ =	strace $0x80000046;
	[dreg:$0x1] =	wrdreg $0xFFFFFFFF  }
0xa8: {  	s28 =	simm.s32 $_size_execute0_lowered;
	s4 =	sadd.s32 s4, s6;
	[dreg:$0x0] =	wrdreg $0x0  }
0xa9: {  	s6 =	sshll.u32 s28, $0x1;
	[dreg:$0x2] =	wrdreg s4  }
0xaa: {  	[dreg:$0x3] =	wrdreg s6  }
0xab: {  	[dreg:$0x4] =	wrdreg $0xC0  }
0xac: {  	_ =	task [dreg:s8], $0x5FFFF  }
0xad: {  	[dreg:$0x1] =	wrdreg $0xFFFFFFFF  }
0xae: {  	[dreg:$0x0] =	wrdreg $0x60  }
0xaf: {  	[dreg:$0x2] =	wrdreg s24  }
0xb0: {  	[dreg:$0x3] =	wrdreg s2  }
0xb1: {  	[dreg:$0x4] =	wrdreg s18  }
0xb2: {  	[dreg:$0x5] =	wrdreg $0x9  }
0xb3: {  	_ =	task.clear_ibuf [dreg:s8], $0x6FFFF;
	_ =	strace $0x90000046  }
0xb4: {  	s29 =	simm.s32 $0x9;
	_ =	strace $0x80000048  }
0xb5: {  	_ =	swait.ge [sflag:s29], $0x1  }
0xb6: {  	[sflag:s29] =	ssyncadd.s32 $0xFFFFFFFF  }
0xb7: {  	_ =	strace $0x90000048  }
0xb8: {  	_ =	sfence  }
0xb9: {  	s30 =	sld [smem:$0x0];
	_ =	sdelay $0x2  }
0xba: {  	s31 =	sshll.u32 s1, $0xD;
	s1 =	sshrl.u32 s1, $0x2  }
0xbb: {  	s3 =	sand.u32 $0x4000, s31;
	s1 =	sadd.s32 s1, s30  }
0xbc: {  	s0 =	sor.u32 s3, s0;
	s1 =	sshll.u32 s1, $0x11  }
0xbd: {  	s0 =	sor.u32 s1, s0  }
0xbe: {  	s0 =	sadd.s32 $0x8F2B, s0  }
0xbf: {  	[sflag:s0] =	ssyncadd.remote.s32 $0x1  }
0xc0: {  	_ =	sfence.sel $0xFFFF  }
0xc1: {  	[dreg:$0x0] =	wrdreg $0xFFFFFFFF;
	(pc) =	sbr.abs _section_cstart, $3  }
0xc2: {  	[dreg:$0x1] =	wrdreg $0xFFFFFFFF  }
0xc3: {  	_ =	task.clear_ibuf [dreg:s8], $0x2FFFF;
	_ =	strace $0x9FFFFFFF  }
0xc4: {  	(tm) =	ssettm $0x7FFFFFFF  }
0xc5: {  	_ =	shalt  }
tec
execute0_lowered:
.L_overlay_start_1:
0x0: {  	(tag) =	ssettag $0x1  }
0x1: {  	s1 =	rddreg [dreg:$0x0]  }
0x2: {  	s0 =	srdreg.scid;
	s2 =	rddreg [dreg:$0x1]  }
0x3: {  	s9 =	stileid.u32;
	s8 =	rddreg [dreg:$0x2]  }
0x4: {  	s10 =	simm.s32 $0x200;
	s11 =	simm.s32 $0xD;
	s28 =	simm.s32 $0x9  }
0x5: {  	s29 =	simm.s32 $0xA;
	s30 =	simm.s32 $0xB;
	s31 =	simm.s32 $0xC  }
0x6: {  	s0 =	sand.u32 $0x1, s0;
	s3 =	sshll.u32 s9, $0xC;
	s24 =	sshll.u32 s9, $0x2  }
0x7: {  	s26 =	sshll.u32 s9, $0x11;
	s9 =	simm.s32 $0x80;
	s4 =	sshll.u32 s0, $0xB  }
0x8: {  	s5 =	ssub.s32 $0x2, s0;
	s0 =	sshll.u32 s0, $0x10;
	s3 =	sor.u32 s4, s3  }
0x9: {  	s25 =	sshrl.u32 s5, $0x1;
	s4 =	sor.u32 s24, s3;
	s3 =	simm.s32 $0x0  }
0xa: {  	s7 =	ssub.s32 s5, s25;
	s24 =	simm.s32 $0x18000;
	s4 =	sand.u32 $0x3830, s4  }
0xb: {  	s25 =	simm.s32 $0x7;
	[smem:$0x7FF] =	sst s3;
	s1 =	sadd.s32 s4, s1  }
0xc: {  	s7 =	smax.u32 s7, $0x1;
	_ =	strace $0x80000047;
	s4 =	sadd.s32 $0x8600, s1  }
0xd: {  	s5 =	sadd.s32 $0x4600, s1;
	s6 =	sadd.s32 $0x600, s1;
	s1 =	sadd.s32 s26, s8  }
0xe: {  	s26 =	simm.s32 $0x8;
	s8 =	sadd.s32 s0, s1;
	s1 =	simm.s32 $0x0  }
.LBB2_1:
0xf: {  	[tilespmem:s3], [sflag:$0xD] =	stream.strided.gather [hbm4b:s4+s9], $0x1000, s10, s9, $0x38;
	[tilespmem:$0x1C000] =	vst v63  }
0x10: {  	_ =	swait.ge [sflag:s11], $0x1000  }
0x11: {  	[sflag:s11] =	ssyncset.done $0x0  }
0x12: {  	s0 =	simm.s32 $0x1000;
	[sflag:s11] =	ssyncadd.s32 $0xFFFFF000  }
0x13: {  	[tilespmem:s0], [sflag:$0xD] =	stream.strided.gather [hbm4b:s5+s9], $0x1000, s10, s9, $0x38;
	[tilespmem:$0x1C000] =	vst v63  }
0x14: {  	_ =	swait.ge [sflag:s11], $0x1000  }
0x15: {  	[sflag:s11] =	ssyncset.done $0x0  }
0x16: {  	s21 =	simm.s32 $0x2000;
	[sflag:s11] =	ssyncadd.s32 $0xFFFFF000  }
0x17: {  	[tilespmem:s21], [sflag:$0xD] =	stream.strided.gather [hbm4b:s6+s9], $0x1000, s10, s9, $0x38;
	[tilespmem:$0x1C000] =	vst v63  }
0x18: {  	_ =	swait.ge [sflag:s11], $0x1000  }
0x19: {  	[sflag:s11] =	ssyncset.done $0x0  }
0x1a: {  	s22 =	simm.s32 $0x0;
	[sflag:s11] =	ssyncadd.s32 $0xFFFFF000  }
0x1b: {  	v0 =	vld [tilespmem:s22+$0x1000]  }
0x1c: {  	v1 =	vld [tilespmem:s22+$0x2000];
	_ =	sdelay $0x1  }
0x1d: {  	v2 =	vld [tilespmem:s22+$0x0];
	_ =	sdelay $0x2  }
0x1e: {  	s23 =	sand.u32 $0x3E00, s3;
	v0 =	vshll.u32 v0, $0xA;
	v1 =	vshll.u32 v1, $0x5  }
0x1f: {  	s12 =	sand.u32 $0x70, s3;
	s0 =	sshrl.u32 s23, $0x2;
	v0 =	vadd.s32 v0, v1  }
0x20: {  	s0 =	sor.u32 s12, s0;
	v0 =	vadd.s32 v2, v0  }
0x21: {  	s14 =	simm.s32 $0x10;
	[tilespmem:s0+$0x3000] =	vst v0  }
0x22: {  	s13 =	simm.s32 $0x80;
	s12 =	simm.s32 $0x40;
	s0 =	simm.s32 $0x0;
	v0 =	vld [tilespmem:s14+$0x1000]  }
.LBB2_2:
0x23: {  	p0 =	sne.s32 s13, $0x3FC0;
	v1 =	vld [tilespmem:s14+$0x2000];
	_ =	sdelay $0x1  }
0x24: {  	v2 =	vld [tilespmem:s14+$0x0];
	_ =	sdelay $0x2  }
.Ltmp0:
0x25: {  	s12 =	sand.u32 $0x3E00, s12;
	s0 =	sadd.s32 $0x10, s0;
	v0 =	vshll.u32 v0, $0xA;
	v1 =	vshll.u32 v1, $0x5;
	(pc) =	sbr.rel @p0 .LBB2_2-.Ltmp0, $4  }
0x26: {  	s15 =	sshrl.u32 s12, $0x2;
	s12 =	smov.u32 s13;
	s14 =	sand.u32 $0x70, s0;
	v0 =	vadd.s32 v0, v1  }
0x27: {  	s15 =	sor.u32 s14, s15;
	v0 =	vadd.s32 v2, v0  }
0x28: {  	s14 =	sshra.s32 s13, $0x2;
	[tilespmem:s15+$0x3000] =	vst v0  }
0x29: {  	s13 =	sadd.s32 $0x40, s13;
	v0 =	vld [tilespmem:s14+$0x1000]  }
0x2a: {  	v1 =	vld [tilespmem:s14+$0x2000];
	_ =	sdelay $0x1  }
0x2b: {  	v2 =	vld [tilespmem:s14+$0x0];
	_ =	sdelay $0x2  }
0x2c: {  	s12 =	sand.u32 $0x3E00, s12;
	s0 =	sadd.s32 $0x10, s0;
	v0 =	vshll.u32 v0, $0xA;
	v1 =	vshll.u32 v1, $0x5  }
0x2d: {  	s0 =	sand.u32 $0x70, s0;
	s12 =	sshrl.u32 s12, $0x2;
	v0 =	vadd.s32 v0, v1  }
0x2e: {  	s13 =	simm.s32 $0x4000;
	s0 =	sor.u32 s0, s12;
	v0 =	vadd.s32 v2, v0  }
0x2f: {  	s14 =	simm.s32 $0x3080;
	s15 =	simm.s32 $0x8000;
	s21 =	simm.s32 $0x0;
	[tilespmem:s0+$0x3000] =	vst v0  }
0x30: {  	s12 =	simm.s32 $0x3000;
	s0 =	smul.u32 $0xAB, s21;
	[bflag:$0x0] =	sbarrier.arrive $0xFFFF  }
0x31: {  	[tilespmem:s13], [sflag:$0x1] =	stream.indirect.gather [hbm4b:s2+s9], $0x80, s12, s9, $0xb8;
	[tilespmem:$0x1C000] =	vst v63  }
0x32: {  	s16 =	simm.s32 $0x3100;
	s17 =	simm.s32 $0xC000;
	s0 =	sshrl.u32 s0, $0xA  }
0x33: {  	s18 =	simm.s32 $0x3180;
	s19 =	simm.s32 $0x10000;
	s0 =	sand.u32 $0x3F, s0  }
0x34: {  	[tilespmem:s15], [sflag:$0x2] =	stream.indirect.gather [hbm4b:s2+s9], $0x80, s14, s9, $0xb8;
	[tilespmem:$0x1C000] =	vst v63  }
0x35: {  	p0 =	por $0x1, $0x1;
	s12 =	simm.s32 $0xFFFFFFFE;
	s0 =	smul.u32 $0x6, s0  }
0x36: {  	s20 =	simm.s32 $0x14000;
	s22 =	simm.s32 $0x3280;
	s14 =	smul.u32 @!p0 $0xAB, s12  }
0x37: {  	[tilespmem:s17], [sflag:$0x3] =	stream.indirect.gather [hbm4b:s2+s9], $0x80, s16, s9, $0xb8;
	[tilespmem:$0x1C000] =	vst v63  }
0x38: {  	s13 =	simm.s32 $0x3200;
	p0 =	por p0, p0;
	s0 =	ssub.s32 $0x0, s0  }
0x39: {  	s12 =	simm.s32 $0xFFFFFFFF;
	s14 =	sshrl.u32 @!p0 s14, $0xA;
	s0 =	sand.u32 $0xFF, s0  }
0x3a: {  	[tilespmem:s19], [sflag:$0x4] =	stream.indirect.gather [hbm4b:s2+s9], $0x80, s18, s9, $0xb8;
	[tilespmem:$0x1C000] =	vst v63  }
0x3b: {  	s15 =	simm.s32 $0x0;
	s14 =	sand.u32 @!p0 $0x3F, s14;
	s16 =	sadd.s32 $0x1, s0  }
0x3c: {  	[tilespmem:s20], [sflag:$0x5] =	stream.indirect.gather [hbm4b:s2+s9], $0x80, s13, s9, $0xb8;
	[tilespmem:$0x1C000] =	vst v63  }
0x3d: {  	s17 =	sshll.u32 s0, $0xE;
	s14 =	smul.u32 @!p0 $0x6, s14;
	s18 =	sadd.s32 $0x7, s0  }
0x3e: {  	[tilespmem:s24], [sflag:$0x6] =	stream.indirect.gather [hbm4b:s2+s9], $0x80, s22, s9, $0xb8;
	[tilespmem:$0x1C000] =	vst v63  }
0x3f: {  	s0 =	simm.s32 $0x3280;
	s14 =	ssub.s32 @!p0 $0xFFFFFFFE, s14;
	_ =	swait.ge [sflag:s16], $0x4000  }
0x40: {  	s23 =	sadd.s32 $0x4000, s17;
	s19 =	sand.u32 @!p0 $0xFF, s14;
	[sflag:s16] =	ssyncset.done $0x0  }
0x41: {  	s14 =	sadd.s32 $0x800, s8;
	[sflag:s16] =	ssyncadd.s32 $0xFFFFC000;
	s16 =	simm.s32 $0x1  }
0x42: {  	[hbm4b:s8+s3] =	stream.linear.scatter [tilespmem:s23], [sflag:s18], $0x4000, $0x38;
	[tilespmem:$0x1C000] =	vst v63  }
0x43: {  	s17 =	sadd.s32 @!p0 $0x7, s19;
	s20 =	smul.u32 $0xAB, s16;
	s18 =	sshll.u32 @!p0 s19, $0xE  }
.LBB2_4:
0x44: {  	p2 =	sgt.u32 s12, $0x19;
	_ =	swait.ge @!p0 [sflag:s17], $0x4000;
	s19 =	sadd.s32 @!p0 $0x1, s19  }
0x45: {  	s21 =	smov.u32 s12;
	s12 =	smov.u32 s15;
	s22 =	smov.u32 s14  }
0x46: {  	s23 =	simm.s32 @!p0 $0x80;
	s20 =	sshrl.u32 s20, $0xA;
	[sflag:s17] =	ssyncset.done @!p0 $0x0  }
0x47: {  	s18 =	sadd.s32 @!p0 $0x4000, s18;
	s20 =	sand.u32 $0x3F, s20;
	[sflag:s17] =	ssyncadd.s32 @!p0 $0xFFFFC000  }
0x48: {  	[tilespmem:s18], [sflag:s19] =	stream.indirect.gather @!p0 [hbm4b:s2+s23], $0x80, s13, s23, $0xb8;
	[tilespmem:$0x1C000] =	vst v63  }
0x49: {  	s15 =	sadd.s32 $0x1, s15;
	s17 =	smul.u32 $0x6, s20;
	s13 =	smov.u32 s0  }
0x4a: {  	p1 =	sne.s32 s15, $0x1E;
	s18 =	smul.u32 @!p2 $0xAB, s21;
	p0 =	por p2, p2  }
0x4b: {  	s16 =	ssub.s32 s16, s17  }
0x4c: {  	s17 =	sshrl.u32 @!p0 s18, $0xA;
	s16 =	sand.u32 $0xFF, s16  }
0x4d: {  	s17 =	sand.u32 @!p0 $0x3F, s17;
	s18 =	sadd.s32 $0x1, s16;
	s19 =	sshll.u32 s16, $0xE  }
0x4e: {  	s0 =	sadd.s32 $0x80, s0;
	s17 =	smul.u32 @!p0 $0x6, s17;
	_ =	swait.ge [sflag:s18], $0x4000  }
.Ltmp1:
0x4f: {  	s20 =	sadd.s32 $0x7, s16;
	[sflag:s18] =	ssyncset.done $0x0;
	(pc) =	sbr.rel @p1 .LBB2_4-.Ltmp1, $4  }
0x50: {  	s17 =	ssub.s32 @!p0 s21, s17;
	[sflag:s18] =	ssyncadd.s32 $0xFFFFC000;
	s18 =	sadd.s32 $0x4000, s19  }
0x51: {  	s14 =	sadd.s32 $0x800, s14;
	s16 =	sadd.s32 $0x2, s12;
	s19 =	sand.u32 @!p0 $0xFF, s17  }
0x52: {  	[hbm4b:s22+s3] =	stream.linear.scatter [tilespmem:s18], [sflag:s20], $0x4000, $0x38;
	[tilespmem:$0x1C000] =	vst v63  }
0x53: {  	s17 =	sadd.s32 @!p0 $0x7, s19;
	s20 =	smul.u32 $0xAB, s16;
	s18 =	sshll.u32 @!p0 s19, $0xE  }
0x54: {  	_ =	swait.ge @!p0 [sflag:s17], $0x4000;
	s15 =	sadd.s32 @!p0 $0x1, s19  }
0x55: {  	s18 =	sadd.s32 @!p0 $0x4000, s18;
	s23 =	sshrl.u32 s20, $0xA;
	[sflag:s17] =	ssyncset.done @!p0 $0x0  }
0x56: {  	s20 =	simm.s32 @!p0 $0x80;
	s19 =	sand.u32 $0x3F, s23;
	[sflag:s17] =	ssyncadd.s32 @!p0 $0xFFFFC000  }
0x57: {  	[tilespmem:s18], [sflag:s15] =	stream.indirect.gather @!p0 [hbm4b:s2+s20], $0x80, s13, s20, $0xb8;
	[tilespmem:$0x1C000] =	vst v63  }
0x58: {  	p0 =	sgt.u32 s12, $0x19;
	s20 =	smul.u32 $0x6, s19  }
0x59: {  	s15 =	smul.u32 @!p0 $0xAB, s12  }
0x5a: {  	p0 =	por p0, p0  }
0x5b: {  	s13 =	ssub.s32 s16, s20;
	s15 =	sshrl.u32 @!p0 s15, $0xA  }
0x5c: {  	s13 =	sand.u32 $0xFF, s13;
	s15 =	sand.u32 @!p0 $0x3F, s15  }
0x5d: {  	s21 =	sadd.s32 $0x1, s13;
	s15 =	smul.u32 @!p0 $0x6, s15  }
0x5e: {  	s22 =	sshll.u32 s13, $0xE;
	_ =	swait.ge [sflag:s21], $0x4000  }
0x5f: {  	s13 =	sadd.s32 $0x7, s13;
	[sflag:s21] =	ssyncset.done $0x0;
	s12 =	ssub.s32 @!p0 s12, s15  }
0x60: {  	s23 =	sadd.s32 $0x4000, s22;
	[sflag:s21] =	ssyncadd.s32 $0xFFFFC000;
	s12 =	sand.u32 @!p0 $0xFF, s12  }
0x61: {  	[hbm4b:s14+s3] =	stream.linear.scatter [tilespmem:s23], [sflag:s13], $0x4000, $0x38;
	[tilespmem:$0x1C000] =	vst v63  }
0x62: {  	s13 =	sadd.s32 @!p0 $0x7, s12  }
0x63: {  	_ =	swait.ge @!p0 [sflag:s13], $0x4000  }
0x64: {  	s15 =	simm.s32 @!p0 $0x80;
	s14 =	sshll.u32 @!p0 s12, $0xE;
	[sflag:s13] =	ssyncset.done @!p0 $0x0  }
0x65: {  	s12 =	sadd.s32 @!p0 $0x1, s12;
	s14 =	sadd.s32 @!p0 $0x4000, s14;
	[sflag:s13] =	ssyncadd.s32 @!p0 $0xFFFFC000  }
0x66: {  	[tilespmem:s14], [sflag:s12] =	stream.indirect.gather @!p0 [hbm4b:s2+s15], $0x80, s0, s15, $0xb8;
	[tilespmem:$0x1C000] =	vst v63  }
0x67: {  	_ =	swait.ge [sflag:s25], $0x4000  }
0x68: {  	[sflag:s25] =	ssyncset.done $0x0  }
0x69: {  	[sflag:s25] =	ssyncadd.s32 $0xFFFFC000  }
0x6a: {  	_ =	swait.ge [sflag:s26], $0x4000  }
0x6b: {  	[sflag:s26] =	ssyncset.done $0x0  }
0x6c: {  	[sflag:s26] =	ssyncadd.s32 $0xFFFFC000  }
0x6d: {  	_ =	swait.ge [sflag:s28], $0x4000  }
0x6e: {  	[sflag:s28] =	ssyncset.done $0x0  }
0x6f: {  	[sflag:s28] =	ssyncadd.s32 $0xFFFFC000  }
0x70: {  	_ =	swait.ge [sflag:s29], $0x4000  }
0x71: {  	[sflag:s29] =	ssyncset.done $0x0  }
0x72: {  	s1 =	sadd.s32 $0x1, s1;
	[sflag:s29] =	ssyncadd.s32 $0xFFFFC000  }
0x73: {  	p0 =	sne.s32 s1, s7;
	_ =	swait.ge [sflag:s30], $0x4000  }
.Ltmp2:
0x74: {  	[sflag:s30] =	ssyncset.done $0x0;
	(pc) =	sbr.rel @p0 .LBB2_1-.Ltmp2, $4  }
0x75: {  	[sflag:s30] =	ssyncadd.s32 $0xFFFFC000  }
0x76: {  	_ =	swait.ge [sflag:s31], $0x4000  }
0x77: {  	[sflag:s31] =	ssyncset.done $0x0  }
0x78: {  	[sflag:s31] =	ssyncadd.s32 $0xFFFFC000  }
0x79: {  	_ =	sfence.sel $0x180000  }
0x7a: {  	[bflag:$0x0] =	sbarrier.arrive $0xFFFF  }
0x7b: {  	_ =	strace $0x90000047  }
0x7c: {  	s0 =	stileid.u32;
	[bflag:$0x2] =	sbarrier.arrive $0xFFFF  }
0x7d: {  	p0 =	sne.s32 s0, $0x0;
	s0 =	rddreg [dreg:$0x3]  }
0x7e: {  	s0 =	sadd.s32 @!p0 $0x100000, s0  }
0x7f: {  	[sflag:s0] =	ssyncadd.tile.s32 @!p0 $0x1;
	_ =	shalt  }
.Lfunc_end2:
_tile_overlayer_lowered:
.L_overlay_start_2:
0x80: {  	(tag) =	ssettag $0x2  }
0x81: {  	s0 =	rddreg [dreg:$0x0];
	s2 =	stileid.u32  }
0x82: {  	s1 =	rddreg [dreg:$0x1];
	p0 =	sne.s32 s2, $0x0  }
0x83: {  	s3 =	rddreg [dreg:$0x2];
	[bflag:$0x3] =	sbarrier.arrive $0xFFFF;
	s2 =	simm.s32 @!p0 $0x1C0D  }
0x84: {  	[timem:s3], [sflag:s2] =	dma.local @!p0 [hbm:s0], s1  }
0x85: {  	s0 =	simm.s32 @!p0 $0xD  }
0x86: {  	_ =	swait.ge @!p0 [sflag:s0], s1  }
0x87: {  	s1 =	ssub.s32 @!p0 $0x0, s1;
	[sflag:s0] =	ssyncset.done @!p0 $0x0  }
0x88: {  	[sflag:s0] =	ssyncadd.s32 @!p0 s1  }
0x89: {  	[bflag:$0x3] =	sbarrier.arrive $0xFFFF  }
0x8a: {  	_ =	shalt  }

</sc_bundles>
